<compile_context>
chip_gen: v7x
topology: tpu7x:2x2x1
jax: 0.10.2.dev20260603
libtpu: 0.0.44.dev20260713+nightly
codegen_flags: <defaults>
</compile_context>

<pallas_src>
import functools

import jax
import jax.numpy as jnp
from jax import lax
from jax.experimental import pallas as pl
from jax.experimental.pallas import tpu as pltpu
from jax.experimental.pallas import tpu_sc as plsc

N_ITEMS = 50000
N_BUNDLES = 10000
N_EDGES = 320000
D = 64
DA = 72

NC, NS = 2, 16
NW = NC * NS
CHUNK = 80

EPW = N_EDGES // NW
SB_STRIPE = 624
SB_REM = N_BUNDLES - NS * SB_STRIPE

IPC = N_ITEMS // NC
ROWS_PAD = IPC + 8
ROW_STRIPE = 1560
ZERO_REM = ROWS_PAD - NS * ROW_STRIPE
OUT_REM = IPC - NS * ROW_STRIPE
EPC = N_EDGES // NS


def _mesh():
    return plsc.VectorSubcoreMesh(core_axis_name="c", subcore_axis_name="s",
                                  num_cores=NC, num_subcores=NS)


_SC_PARAMS = pltpu.CompilerParams(use_tc_tiling_on_sc=False)


def _make_bundle_sum(width):

    def body(table, iidx, bidx, zrows, sb_out, acc, idxi_v, idxb_v, rows_v,
             sem):
        cid = lax.axis_index("c")
        sid = lax.axis_index("s")
        wid = cid * NS + sid
        pltpu.sync_copy(zrows.at[pl.ds(0, SB_STRIPE), :],
                        acc.at[pl.ds(sid * SB_STRIPE, SB_STRIPE), :])

        @pl.when(sid == 0)
        def _():
            pltpu.sync_copy(zrows.at[pl.ds(0, SB_REM), :],
                            acc.at[pl.ds(NS * SB_STRIPE, SB_REM), :])

        plsc.subcore_barrier()

        ebase = wid * EPW

        def step(i, carry):
            off = ebase + i * CHUNK
            pltpu.sync_copy(iidx.at[pl.ds(off, CHUNK)], idxi_v)
            pltpu.sync_copy(bidx.at[pl.ds(off, CHUNK)], idxb_v)
            pltpu.async_copy(table.at[idxi_v], rows_v, sem).wait()
            pltpu.sync_copy(rows_v, acc.at[idxb_v], add=True)
            return carry

        lax.fori_loop(0, EPW // CHUNK, step, 0)
        plsc.subcore_barrier()
        pltpu.sync_copy(acc.at[pl.ds(sid * SB_STRIPE, SB_STRIPE), :],
                        sb_out.at[cid, pl.ds(sid * SB_STRIPE, SB_STRIPE), :])

        @pl.when(sid == 0)
        def _():
            pltpu.sync_copy(acc.at[pl.ds(NS * SB_STRIPE, SB_REM), :],
                            sb_out.at[cid, pl.ds(NS * SB_STRIPE, SB_REM), :])

    return pl.kernel(
        body,
        out_type=jax.ShapeDtypeStruct((NC, N_BUNDLES, width), jnp.float32),
        mesh=_mesh(),
        compiler_params=_SC_PARAMS,
        scratch_types=[
            pltpu.VMEM_SHARED((N_BUNDLES, width), jnp.float32),
            pltpu.VMEM((CHUNK,), jnp.int32),
            pltpu.VMEM((CHUNK,), jnp.int32),
            pltpu.VMEM((CHUNK, width), jnp.float32),
            pltpu.SemaphoreType.DMA,
        ],
    )


@functools.cache
def _bundle_sum_aug():
    return _make_bundle_sum(DA)


@functools.cache
def _bundle_sum_plain():
    return _make_bundle_sum(D)


def _item_sum_body(table, iidx, bidx, zrows, si_out,
                   acc, idxb_v, idxl_v, rows_v, sem):
    cid = lax.axis_index("c")
    sid = lax.axis_index("s")
    pltpu.sync_copy(zrows.at[pl.ds(0, ROW_STRIPE), :],
                    acc.at[pl.ds(sid * ROW_STRIPE, ROW_STRIPE), :])

    @pl.when(sid == 0)
    def _():
        pltpu.sync_copy(zrows.at[pl.ds(0, ZERO_REM), :],
                        acc.at[pl.ds(NS * ROW_STRIPE, ZERO_REM), :])

    plsc.subcore_barrier()

    item_base = cid * IPC
    ebase = sid * EPC

    def step(i, carry):
        off = ebase + i * CHUNK
        pltpu.sync_copy(bidx.at[pl.ds(off, CHUNK)], idxb_v)
        pltpu.sync_copy(iidx.at[pl.ds(off, CHUNK)], idxl_v)
        for j in range(CHUNK // 16):
            v = idxl_v[pl.ds(j * 16, 16)]
            lo = v - item_base
            ok = (lo >= 0) & (lo < IPC)
            idxl_v[pl.ds(j * 16, 16)] = jnp.where(ok, lo, IPC)
        pltpu.async_copy(table.at[idxb_v], rows_v, sem).wait()
        pltpu.sync_copy(rows_v, acc.at[idxl_v], add=True)
        return carry

    lax.fori_loop(0, EPC // CHUNK, step, 0)
    plsc.subcore_barrier()
    pltpu.sync_copy(acc.at[pl.ds(sid * ROW_STRIPE, ROW_STRIPE), :],
                    si_out.at[pl.ds(item_base + sid * ROW_STRIPE,
                                    ROW_STRIPE), :])

    @pl.when(sid == 0)
    def _():
        pltpu.sync_copy(acc.at[pl.ds(NS * ROW_STRIPE, OUT_REM), :],
                        si_out.at[pl.ds(item_base + NS * ROW_STRIPE,
                                        OUT_REM), :])


@functools.cache
def _item_sum():
    return pl.kernel(
        _item_sum_body,
        out_type=jax.ShapeDtypeStruct((N_ITEMS, DA), jnp.float32),
        mesh=_mesh(),
        compiler_params=_SC_PARAMS,
        scratch_types=[
            pltpu.VMEM_SHARED((ROWS_PAD, DA), jnp.float32),
            pltpu.VMEM((CHUNK,), jnp.int32),
            pltpu.VMEM((CHUNK,), jnp.int32),
            pltpu.VMEM((CHUNK, DA), jnp.float32),
            pltpu.SemaphoreType.DMA,
        ],
    )



def _inv_deg(deg):
    return jnp.where(deg > 0, 1.0 / jnp.maximum(deg, 1e-8), 0.0)


def _make_y_body(s0_ref, s1_ref, y_ref):
    s = s0_ref[...] + s1_ref[...]
    inv = _inv_deg(s[:, D:D + 1])
    y_ref[...] = jnp.concatenate(
        [s[:, :D] * inv,
         jnp.ones((N_BUNDLES, 1), jnp.float32),
         jnp.zeros((N_BUNDLES, DA - D - 1), jnp.float32)], axis=1)


_make_y = pl.pallas_call(
    _make_y_body,
    out_shape=jax.ShapeDtypeStruct((N_BUNDLES, DA), jnp.float32),
)


def _final_body(s0_ref, s1_ref, d0_ref, d1_ref, o_ref):
    deg = d0_ref[...] + d1_ref[...]
    o_ref[...] = (s0_ref[...] + s1_ref[...]) * _inv_deg(deg)


_final_scale = pl.pallas_call(
    _final_body,
    out_shape=jax.ShapeDtypeStruct((N_BUNDLES, D), jnp.float32),
)


def _l2norm(x):
    n = jnp.sqrt(jnp.sum(x * x, axis=1, keepdims=True))
    return x / jnp.maximum(n, 1e-12)


def _fused_body(content_ref, text_ref, cf_ref, ie_ref, h0_ref, si_ref,
                cw1, cb1, cw2, cb2, cw3, cb3,
                tw1, tb1, tw2, tb2, tw3, tb3,
                cfw, cfb, wq, wk, wv, out_ref):
    f32 = jnp.float32

    def dense3(x, w1, b1, w2, b2, w3, b3):
        h = jnp.dot(x, w1[...], preferred_element_type=f32) + b1[...][None, :]
        h = jnp.maximum(h, 0.0)
        h = jnp.dot(h, w2[...], preferred_element_type=f32) + b2[...][None, :]
        h = jnp.maximum(h, 0.0)
        return jnp.dot(h, w3[...], preferred_element_type=f32) + b3[...][None, :]

    c = dense3(_l2norm(content_ref[...]), cw1, cb1, cw2, cb2, cw3, cb3)
    t = dense3(_l2norm(text_ref[...]), tw1, tb1, tw2, tb2, tw3, tb3)
    mm = c + t
    cfo = (jnp.dot(cf_ref[...], cfw[...], preferred_element_type=f32)
           + cfb[...][None, :])
    sia = si_ref[...]
    h1 = sia[:, :D] * _inv_deg(sia[:, D:D + 1])
    hyper = _l2norm(0.5 * (h0_ref[...] + h1))

    views = [mm, cfo, ie_ref[...], hyper]
    fs = []
    for v in views:
        mu = jnp.mean(v, axis=1, keepdims=True)
        d = v - mu
        var = jnp.mean(d * d, axis=1, keepdims=True)
        fs.append(d * lax.rsqrt(var + 1e-5))
    bsz = fs[0].shape[0]
    F = jnp.concatenate(fs, axis=0)
    Q = jnp.dot(F, wq[...], preferred_element_type=f32)
    K = jnp.dot(F, wk[...], preferred_element_type=f32)
    V = jnp.dot(F, wv[...], preferred_element_type=f32)
    qs = [Q[i * bsz:(i + 1) * bsz] for i in range(4)]
    ks = [K[i * bsz:(i + 1) * bsz] for i in range(4)]
    vs = [V[i * bsz:(i + 1) * bsz] for i in range(4)]
    scale = float(D) ** -0.5
    acc = jnp.zeros_like(vs[0])
    for i in range(4):
        s = [jnp.sum(qs[i] * ks[j], axis=1, keepdims=True) * scale
             for j in range(4)]
        m = jnp.maximum(jnp.maximum(s[0], s[1]), jnp.maximum(s[2], s[3]))
        e = [jnp.exp(sj - m) for sj in s]
        den = e[0] + e[1] + e[2] + e[3]
        o = (e[0] * vs[0] + e[1] * vs[1] + e[2] * vs[2] + e[3] * vs[3]) / den
        acc = acc + o
    out_ref[...] = 0.25 * acc


_BI = 1000
_GRID = N_ITEMS // _BI


def _row_spec(dcols):
    return pl.BlockSpec((_BI, dcols), lambda i: (i, 0))


def _full_spec(shape):
    nd = len(shape)
    return pl.BlockSpec(shape, (lambda i: (0,) * nd))


_fused_items_specs = [
    _row_spec(512), _row_spec(768), _row_spec(D), _row_spec(D),
    _row_spec(D), _row_spec(DA),
    _full_spec((512, 512)), _full_spec((512,)),
    _full_spec((512, 256)), _full_spec((256,)),
    _full_spec((256, D)), _full_spec((D,)),
    _full_spec((768, 768)), _full_spec((768,)),
    _full_spec((768, 256)), _full_spec((256,)),
    _full_spec((256, D)), _full_spec((D,)),
    _full_spec((D, D)), _full_spec((D,)),
    _full_spec((D, D)), _full_spec((D, D)), _full_spec((D, D)),
]

_fused_items = pl.pallas_call(
    _fused_body,
    grid=(_GRID,),
    in_specs=_fused_items_specs,
    out_specs=_row_spec(D),
    out_shape=jax.ShapeDtypeStruct((N_ITEMS, D), jnp.float32),
)


def kernel(content_feature, text_feature, cf_feature, bundle_idx, item_idx,
           c_W1, c_b1, c_W2, c_b2, c_W3, c_b3,
           t_W1, t_b1, t_W2, t_b2, t_W3, t_b3,
           cf_W, cf_b, item_embeddings, item_hyper_emb,
           Wq, Wk, Wv, modal_weight):
    wm = jax.nn.softmax(modal_weight, axis=0)
    zrows_a = jnp.zeros((ROW_STRIPE + ZERO_REM, DA), jnp.float32)
    zrows_p = jnp.zeros((SB_STRIPE + SB_REM, D), jnp.float32)

    h0_aug = jnp.concatenate(
        [item_hyper_emb,
         jnp.ones((N_ITEMS, 1), jnp.float32),
         jnp.zeros((N_ITEMS, DA - D - 1), jnp.float32)], axis=1)
    sb_part = _bundle_sum_aug()(h0_aug, item_idx, bundle_idx, zrows_a)
    y_aug = _make_y(sb_part[0], sb_part[1])

    si_aug = _item_sum()(y_aug, item_idx, bundle_idx, zrows_a)

    item_feature = _fused_items(
        content_feature, text_feature, cf_feature, item_embeddings,
        item_hyper_emb, si_aug,
        c_W1, c_b1, c_W2, c_b2, wm[0] * c_W3, wm[0] * c_b3,
        t_W1, t_b1, t_W2, t_b2, wm[1] * t_W3, wm[1] * t_b3,
        cf_W, cf_b, Wq, Wk, Wv)

    sbf_part = _bundle_sum_plain()(item_feature, item_idx, bundle_idx,
                                   zrows_p)
    db0 = sb_part[0, :, D:D + 1]
    db1 = sb_part[1, :, D:D + 1]
    return _final_scale(sbf_part[0], sbf_part[1], db0, db1)

# --- scband reference (transcript-rebuilt; emitter-appended) ---
"""Pipeline reference for scband-hierachical-encoder-53137335386355 (READ-ONLY COPY).

The authoritative reference and input builder live on the scoring server;
editing this copy changes nothing except your own understanding.
"""

import jax, jax.numpy as jnp
import numpy as np

N_ITEMS = 50000
N_BUNDLES = 10000
N_EDGES = 320000
D_C = 512
D_T = 768
D = 64

def _xavier(key, shape):
    std = float(np.sqrt(2.0 / (shape[0] + shape[1])))
    return jax.random.normal(key, shape, dtype=jnp.float32) * std

def setup_inputs(seed: int = 0):
    key = jax.random.key(seed)
    ks = jax.random.split(key, 30)
    inp = {}
    inp['content_feature'] = jax.random.normal(ks[0], (N_ITEMS, D_C), dtype=jnp.float32)
    inp['text_feature'] = jax.random.normal(ks[1], (N_ITEMS, D_T), dtype=jnp.float32)
    inp['cf_feature'] = jax.random.normal(ks[2], (N_ITEMS, D), dtype=jnp.float32)
    inp['bundle_idx'] = jax.random.randint(ks[3], (N_EDGES,), 0, N_BUNDLES, dtype=jnp.int32)
    inp['item_idx'] = jax.random.randint(ks[4], (N_EDGES,), 0, N_ITEMS, dtype=jnp.int32)
    inp['c_W1'] = _xavier(ks[5], (D_C, D_C)); inp['c_b1'] = jnp.zeros((D_C,), jnp.float32)
    inp['c_W2'] = _xavier(ks[6], (D_C, 256)); inp['c_b2'] = jnp.zeros((256,), jnp.float32)
    inp['c_W3'] = _xavier(ks[7], (256, D)); inp['c_b3'] = jnp.zeros((D,), jnp.float32)
    inp['t_W1'] = _xavier(ks[8], (D_T, D_T)); inp['t_b1'] = jnp.zeros((D_T,), jnp.float32)
    inp['t_W2'] = _xavier(ks[9], (D_T, 256)); inp['t_b2'] = jnp.zeros((256,), jnp.float32)
    inp['t_W3'] = _xavier(ks[10], (256, D)); inp['t_b3'] = jnp.zeros((D,), jnp.float32)
    inp['cf_W'] = _xavier(ks[11], (D, D)); inp['cf_b'] = jnp.zeros((D,), jnp.float32)
    inp['item_embeddings'] = _xavier(ks[12], (N_ITEMS, D))
    inp['item_hyper_emb'] = _xavier(ks[13], (N_ITEMS, D))
    inp['Wq'] = _xavier(ks[14], (D, D))
    inp['Wk'] = _xavier(ks[15], (D, D))
    inp['Wv'] = _xavier(ks[16], (D, D))
    inp['modal_weight'] = jnp.array([0.5, 0.5], dtype=jnp.float32)
    return inp

def _normalize(x, eps=1e-12):
    n = jnp.linalg.norm(x, axis=-1, keepdims=True)
    return x / jnp.maximum(n, eps)

def _dense3(x, W1, b1, W2, b2, W3, b3):
    h = jax.nn.relu(x @ W1 + b1)
    h = jax.nn.relu(h @ W2 + b2)
    return h @ W3 + b3

def _forward(content_feature, text_feature, cf_feature, c_W1, c_b1, c_W2, c_b2, c_W3, c_b3, t_W1, t_b1, t_W2, t_b2, t_W3, t_b3, cf_W, cf_b, item_embeddings, item_hyper_emb, Wq, Wk, Wv, modal_weight, bundle_idx, item_idx):
    ones = jnp.ones((N_EDGES,), jnp.float32)
    deg_b = jax.ops.segment_sum(ones, bundle_idx, num_segments=N_BUNDLES)
    inv_b = jnp.where(deg_b > 0, 1.0 / jnp.maximum(deg_b, 1e-8), 0.0)
    deg_i = jax.ops.segment_sum(ones, item_idx, num_segments=N_ITEMS)
    inv_i = jnp.where(deg_i > 0, 1.0 / jnp.maximum(deg_i, 1e-8), 0.0)
    def spmm_bi(x):
        msg = x[item_idx] * inv_b[bundle_idx][:, None]
        return jax.ops.segment_sum(msg, bundle_idx, num_segments=N_BUNDLES)
    def spmm_ib(y):
        msg = y[bundle_idx] * inv_i[item_idx][:, None]
        return jax.ops.segment_sum(msg, item_idx, num_segments=N_ITEMS)
    # hyper_graph_conv_net with num_layer=1: propagate item emb through normalized bipartite hypergraph
    h0 = item_hyper_emb
    h1 = spmm_ib(spmm_bi(h0))
    hyper_feat = _normalize((h0 + h1) * 0.5)
    # modality encoders on L2-normalized features (as in __init__)
    c = _dense3(_normalize(content_feature), c_W1, c_b1, c_W2, c_b2, c_W3, c_b3)
    t = _dense3(_normalize(text_feature), t_W1, t_b1, t_W2, t_b2, t_W3, t_b3)
    w = jax.nn.softmax(modal_weight, axis=0)
    mm = w[0] * c + w[1] * t
    cf = cf_feature @ cf_W + cf_b
    feats = jnp.stack([mm, cf, item_embeddings, hyper_feat], axis=-2)  # [N_ITEMS, 4, D]
    # selfAttention: layernorm (no affine), w_q/w_k/w_v, softmax attention, mean over views
    mu = feats.mean(axis=-1, keepdims=True)
    var = feats.var(axis=-1, keepdims=True)
    f = (feats - mu) / jnp.sqrt(var + 1e-5)
    q = f @ Wq
    k = f @ Wk
    v = f @ Wv
    attn = jax.nn.softmax((q * (D ** (-0.5))) @ jnp.swapaxes(k, -1, -2), axis=-1)
    item_feature = (attn @ v).mean(axis=-2)
    # bundle_agg_graph_ori: row-normalized bi-graph aggregation
    bundle_feature = spmm_bi(item_feature)
    return bundle_feature

def reference(content_feature, text_feature, cf_feature, bundle_idx, item_idx, c_W1, c_b1, c_W2, c_b2, c_W3, c_b3, t_W1, t_b1, t_W2, t_b2, t_W3, t_b3, cf_W, cf_b, item_embeddings, item_hyper_emb, Wq, Wk, Wv, modal_weight):
    return _forward(content_feature, text_feature, cf_feature, c_W1, c_b1, c_W2, c_b2, c_W3, c_b3, t_W1, t_b1, t_W2, t_b2, t_W3, t_b3, cf_W, cf_b, item_embeddings, item_hyper_emb, Wq, Wk, Wv, modal_weight, bundle_idx, item_idx)

if __name__ == "__main__":
    import jax
    _d = setup_inputs()
    print(jax.jit(kernel)(*tuple(_d.values())))

</pallas_src>

<mosaic_0001>
#map = affine_map<(d0, d1) -> (0, 0)>
#map1 = affine_map<(d0, d1) -> (0)>
#map2 = affine_map<(d0, d1) -> (0, 0, 0)>
module attributes {stable_mosaic.version = 14 : i64} {
  func.func @body(%arg0: i32, %arg1: i32, %arg2: memref<50000x72xf32, #tpu.memory_space<hbm>>, %arg3: memref<320000xi32, #tpu.memory_space<hbm>>, %arg4: memref<320000xi32, #tpu.memory_space<hbm>>, %arg5: memref<1608x72xf32, #tpu.memory_space<hbm>>, %arg6: memref<2x10000x72xf32, #tpu.memory_space<hbm>>, %arg7: memref<10000x72xf32, #tpu.memory_space<vmem_shared>>, %arg8: memref<80xi32, #tpu.memory_space<vmem>>, %arg9: memref<80xi32, #tpu.memory_space<vmem>>, %arg10: memref<80x72xf32, #tpu.memory_space<vmem>>, %arg11: memref<!tpu.dma_semaphore, #tpu.memory_space<semaphore_mem>>) attributes {dimension_semantics = [#tpu.dimension_semantics<core_parallel>, #tpu.dimension_semantics<subcore_parallel>], iteration_bounds = array<i64: 2, 16>, scalar_prefetch = 0 : i64, scratch_operands = 5 : i64, tpu.core_type = #tpu.core_type<sc_vector_subcore>, window_params = [{transform_indices = #map}, {transform_indices = #map1}, {transform_indices = #map1}, {transform_indices = #map}, {transform_indices = #map2}]} {
    %mul3A = arith.constant 16 : i32
    %mul3A_0 = arith.muli %arg0, %mul3A : i32
    %add3A = arith.addi %mul3A_0, %arg1 : i32
    %mul3A_1 = arith.constant 624 : i32
    %mul3A_2 = arith.muli %arg1, %mul3A_1 : i32
    "tpu.region"() ({
      %run_scoped3A = tpu.sem_alloc : memref<!tpu.dma_semaphore, #tpu.memory_space<semaphore_mem>>
      %dma_start3A = arith.constant 0 : i32
      %dma_start3A_22 = tpu.memref_slice %arg7[%mul3A_2, %dma_start3A] : memref<10000x72xf32, #tpu.memory_space<vmem_shared>> -> memref<624x72xf32, #tpu.memory_space<vmem_shared>>
      %dma_start3A_23 = arith.constant 0 : i32
      %dma_start3A_24 = arith.constant 0 : i32
      %dma_start3A_25 = tpu.memref_slice %arg5[%dma_start3A_23, %dma_start3A_24] : memref<1608x72xf32, #tpu.memory_space<hbm>> -> memref<624x72xf32, #tpu.memory_space<hbm>>
      tpu.enqueue_dma source(%dma_start3A_25 : memref<624x72xf32, #tpu.memory_space<hbm>>) target(%dma_start3A_22 : memref<624x72xf32, #tpu.memory_space<vmem_shared>>) target_semaphore(%run_scoped3A : memref<!tpu.dma_semaphore, #tpu.memory_space<semaphore_mem>>)
      %dma_wait3A = arith.constant 0 : i32
      %dma_wait3A_26 = tpu.memref_slice %arg7[%mul3A_2, %dma_wait3A] : memref<10000x72xf32, #tpu.memory_space<vmem_shared>> -> memref<624x72xf32, #tpu.memory_space<vmem_shared>>
      %dma_wait3A_27 = arith.constant 0 : i32
      %dma_wait3A_28 = arith.constant 0 : i32
      %dma_wait3A_29 = tpu.memref_slice %arg5[%dma_wait3A_27, %dma_wait3A_28] : memref<1608x72xf32, #tpu.memory_space<hbm>> -> memref<624x72xf32, #tpu.memory_space<hbm>>
      tpu.wait_dma2 semaphore(%run_scoped3A : memref<!tpu.dma_semaphore, #tpu.memory_space<semaphore_mem>>) src(%dma_wait3A_29 : memref<624x72xf32, #tpu.memory_space<hbm>>) dst(%dma_wait3A_26 : memref<624x72xf32, #tpu.memory_space<vmem_shared>>)
      tpu.yield
    }) : () -> ()
    %eq3A = arith.constant 0 : i32
    %eq3A_3 = arith.cmpi eq, %arg1, %eq3A : i32
    %convert_element_type3A = arith.extui %eq3A_3 : i1 to i32
    %cond3A = arith.constant 0 : i32
    %cond3A_4 = arith.cmpi ne, %convert_element_type3A, %cond3A : i32
    scf.if %cond3A_4 {
      "tpu.region"() ({
        %run_scoped3A = tpu.sem_alloc : memref<!tpu.dma_semaphore, #tpu.memory_space<semaphore_mem>>
        %dma_start3A = arith.constant 9984 : i32
        %dma_start3A_22 = arith.constant 0 : i32
        %dma_start3A_23 = tpu.memref_slice %arg7[%dma_start3A, %dma_start3A_22] : memref<10000x72xf32, #tpu.memory_space<vmem_shared>> -> memref<16x72xf32, #tpu.memory_space<vmem_shared>>
        %dma_start3A_24 = arith.constant 0 : i32
        %dma_start3A_25 = arith.constant 0 : i32
        %dma_start3A_26 = tpu.memref_slice %arg5[%dma_start3A_24, %dma_start3A_25] : memref<1608x72xf32, #tpu.memory_space<hbm>> -> memref<16x72xf32, #tpu.memory_space<hbm>>
        tpu.enqueue_dma source(%dma_start3A_26 : memref<16x72xf32, #tpu.memory_space<hbm>>) target(%dma_start3A_23 : memref<16x72xf32, #tpu.memory_space<vmem_shared>>) target_semaphore(%run_scoped3A : memref<!tpu.dma_semaphore, #tpu.memory_space<semaphore_mem>>)
        %dma_wait3A = arith.constant 9984 : i32
        %dma_wait3A_27 = arith.constant 0 : i32
        %dma_wait3A_28 = tpu.memref_slice %arg7[%dma_wait3A, %dma_wait3A_27] : memref<10000x72xf32, #tpu.memory_space<vmem_shared>> -> memref<16x72xf32, #tpu.memory_space<vmem_shared>>
        %dma_wait3A_29 = arith.constant 0 : i32
        %dma_wait3A_30 = arith.constant 0 : i32
        %dma_wait3A_31 = tpu.memref_slice %arg5[%dma_wait3A_29, %dma_wait3A_30] : memref<1608x72xf32, #tpu.memory_space<hbm>> -> memref<16x72xf32, #tpu.memory_space<hbm>>
        tpu.wait_dma2 semaphore(%run_scoped3A : memref<!tpu.dma_semaphore, #tpu.memory_space<semaphore_mem>>) src(%dma_wait3A_31 : memref<16x72xf32, #tpu.memory_space<hbm>>) dst(%dma_wait3A_28 : memref<16x72xf32, #tpu.memory_space<vmem_shared>>)
        tpu.yield
      }) : () -> ()
    } else {
    }
    %barrier3A = arith.constant 0 : index
    tpu.barrier barrier_id(%barrier3A)
    %mul3A_5 = arith.constant 10000 : i32
    %mul3A_6 = arith.muli %add3A, %mul3A_5 : i32
    %scan3A = arith.constant 0 : i32
    %scan3A_7 = arith.constant 0 : i32
    %scan3A_8 = arith.constant 125 : i32
    %scan3A_9 = arith.addi %scan3A_7, %scan3A_8 : i32
    %scan3A_10 = arith.constant 1 : i32
    scf.for %scan3A_22 = %scan3A_7 to %scan3A_9 step %scan3A_10  : i32 {
      %mul3A_23 = arith.constant 80 : i32
      %mul3A_24 = arith.muli %scan3A_22, %mul3A_23 : i32
      %add3A_25 = arith.addi %mul3A_6, %mul3A_24 : i32
      "tpu.region"() ({
        %run_scoped3A = tpu.sem_alloc : memref<!tpu.dma_semaphore, #tpu.memory_space<semaphore_mem>>
        %dma_start3A_30 = tpu.memref_slice %arg3[%add3A_25] : memref<320000xi32, #tpu.memory_space<hbm>> -> memref<80xi32, #tpu.memory_space<hbm>>
        %dma_start3A_31 = tpu.memref_slice %arg3[%add3A_25] : memref<320000xi32, #tpu.memory_space<hbm>> -> memref<80xi32, #tpu.memory_space<hbm>>
        tpu.enqueue_dma source(%dma_start3A_31 : memref<80xi32, #tpu.memory_space<hbm>>) target(%arg8 : memref<80xi32, #tpu.memory_space<vmem>>) target_semaphore(%run_scoped3A : memref<!tpu.dma_semaphore, #tpu.memory_space<semaphore_mem>>)
        %dma_wait3A_32 = tpu.memref_slice %arg3[%add3A_25] : memref<320000xi32, #tpu.memory_space<hbm>> -> memref<80xi32, #tpu.memory_space<hbm>>
        %dma_wait3A_33 = tpu.memref_slice %arg3[%add3A_25] : memref<320000xi32, #tpu.memory_space<hbm>> -> memref<80xi32, #tpu.memory_space<hbm>>
        tpu.wait_dma2 semaphore(%run_scoped3A : memref<!tpu.dma_semaphore, #tpu.memory_space<semaphore_mem>>) src(%dma_wait3A_33 : memref<80xi32, #tpu.memory_space<hbm>>) dst(%arg8 : memref<80xi32, #tpu.memory_space<vmem>>)
        tpu.yield
      }) : () -> ()
      "tpu.region"() ({
        %run_scoped3A = tpu.sem_alloc : memref<!tpu.dma_semaphore, #tpu.memory_space<semaphore_mem>>
        %dma_start3A_30 = tpu.memref_slice %arg4[%add3A_25] : memref<320000xi32, #tpu.memory_space<hbm>> -> memref<80xi32, #tpu.memory_space<hbm>>
        %dma_start3A_31 = tpu.memref_slice %arg4[%add3A_25] : memref<320000xi32, #tpu.memory_space<hbm>> -> memref<80xi32, #tpu.memory_space<hbm>>
        tpu.enqueue_dma source(%dma_start3A_31 : memref<80xi32, #tpu.memory_space<hbm>>) target(%arg9 : memref<80xi32, #tpu.memory_space<vmem>>) target_semaphore(%run_scoped3A : memref<!tpu.dma_semaphore, #tpu.memory_space<semaphore_mem>>)
        %dma_wait3A_32 = tpu.memref_slice %arg4[%add3A_25] : memref<320000xi32, #tpu.memory_space<hbm>> -> memref<80xi32, #tpu.memory_space<hbm>>
        %dma_wait3A_33 = tpu.memref_slice %arg4[%add3A_25] : memref<320000xi32, #tpu.memory_space<hbm>> -> memref<80xi32, #tpu.memory_space<hbm>>
        tpu.wait_dma2 semaphore(%run_scoped3A : memref<!tpu.dma_semaphore, #tpu.memory_space<semaphore_mem>>) src(%dma_wait3A_33 : memref<80xi32, #tpu.memory_space<hbm>>) dst(%arg9 : memref<80xi32, #tpu.memory_space<vmem>>)
        tpu.yield
      }) : () -> ()
      %dma_start3A = arith.constant 0 : i32
      %dma_start3A_26 = arith.constant 0 : i32
      %dma_start3A_27 = tpu.memref_slice %arg2[%dma_start3A, %dma_start3A_26] : memref<50000x72xf32, #tpu.memory_space<hbm>> -> memref<50000x72xf32, #tpu.memory_space<hbm>>
      tpu.enqueue_indirect_dma source(%dma_start3A_27 : memref<50000x72xf32, #tpu.memory_space<hbm>>) target(%arg10 : memref<80x72xf32, #tpu.memory_space<vmem>>) offsets(%arg8 : memref<80xi32, #tpu.memory_space<vmem>>) semaphore(%arg11 : memref<!tpu.dma_semaphore, #tpu.memory_space<semaphore_mem>>)
      %dma_wait3A = arith.constant 0 : i32
      %dma_wait3A_28 = arith.constant 0 : i32
      %dma_wait3A_29 = tpu.memref_slice %arg2[%dma_wait3A, %dma_wait3A_28] : memref<50000x72xf32, #tpu.memory_space<hbm>> -> memref<50000x72xf32, #tpu.memory_space<hbm>>
      tpu.wait_indirect_dma semaphore(%arg11 : memref<!tpu.dma_semaphore, #tpu.memory_space<semaphore_mem>>) src(%dma_wait3A_29 : memref<50000x72xf32, #tpu.memory_space<hbm>>) dst(%arg10 : memref<80x72xf32, #tpu.memory_space<vmem>>)
      "tpu.region"() ({
        %run_scoped3A = tpu.sem_alloc : memref<!tpu.dma_semaphore, #tpu.memory_space<semaphore_mem>>
        %dma_start3A_30 = arith.constant 0 : i32
        %dma_start3A_31 = arith.constant 0 : i32
        %dma_start3A_32 = tpu.memref_slice %arg7[%dma_start3A_30, %dma_start3A_31] : memref<10000x72xf32, #tpu.memory_space<vmem_shared>> -> memref<10000x72xf32, #tpu.memory_space<vmem_shared>>
        tpu.enqueue_indirect_dma source(%arg10 : memref<80x72xf32, #tpu.memory_space<vmem>>) target(%dma_start3A_32 : memref<10000x72xf32, #tpu.memory_space<vmem_shared>>) offsets(%arg9 : memref<80xi32, #tpu.memory_space<vmem>>) semaphore(%run_scoped3A : memref<!tpu.dma_semaphore, #tpu.memory_space<semaphore_mem>>) {add = true}
        %dma_wait3A_33 = arith.constant 0 : i32
        %dma_wait3A_34 = arith.constant 0 : i32
        %dma_wait3A_35 = tpu.memref_slice %arg7[%dma_wait3A_33, %dma_wait3A_34] : memref<10000x72xf32, #tpu.memory_space<vmem_shared>> -> memref<10000x72xf32, #tpu.memory_space<vmem_shared>>
        tpu.wait_indirect_dma semaphore(%run_scoped3A : memref<!tpu.dma_semaphore, #tpu.memory_space<semaphore_mem>>) src(%arg10 : memref<80x72xf32, #tpu.memory_space<vmem>>) dst(%dma_wait3A_35 : memref<10000x72xf32, #tpu.memory_space<vmem_shared>>)
        tpu.yield
      }) : () -> ()
    }
    %scan3A_11 = arith.constant 125 : i32
    %barrier3A_12 = arith.constant 0 : index
    tpu.barrier barrier_id(%barrier3A_12)
    %mul3A_13 = arith.constant 624 : i32
    %mul3A_14 = arith.muli %arg1, %mul3A_13 : i32
    %mul3A_15 = arith.constant 624 : i32
    %mul3A_16 = arith.muli %arg1, %mul3A_15 : i32
    "tpu.region"() ({
      %run_scoped3A = tpu.sem_alloc : memref<!tpu.dma_semaphore, #tpu.memory_space<semaphore_mem>>
      %dma_start3A = arith.constant 0 : i32
      %dma_start3A_22 = tpu.memref_slice %arg6[%arg0, %mul3A_16, %dma_start3A] : memref<2x10000x72xf32, #tpu.memory_space<hbm>> -> memref<1x624x72xf32, #tpu.memory_space<hbm>>
      %dma_start3A_23 = tpu.memref_squeeze %dma_start3A_22 : memref<1x624x72xf32, #tpu.memory_space<hbm>> -> memref<624x72xf32, #tpu.memory_space<hbm>>
      %dma_start3A_24 = arith.constant 0 : i32
      %dma_start3A_25 = tpu.memref_slice %arg7[%mul3A_14, %dma_start3A_24] : memref<10000x72xf32, #tpu.memory_space<vmem_shared>> -> memref<624x72xf32, #tpu.memory_space<vmem_shared>>
      tpu.enqueue_dma source(%dma_start3A_25 : memref<624x72xf32, #tpu.memory_space<vmem_shared>>) target(%dma_start3A_23 : memref<624x72xf32, #tpu.memory_space<hbm>>) target_semaphore(%run_scoped3A : memref<!tpu.dma_semaphore, #tpu.memory_space<semaphore_mem>>)
      %dma_wait3A = arith.constant 0 : i32
      %dma_wait3A_26 = tpu.memref_slice %arg6[%arg0, %mul3A_16, %dma_wait3A] : memref<2x10000x72xf32, #tpu.memory_space<hbm>> -> memref<1x624x72xf32, #tpu.memory_space<hbm>>
      %dma_wait3A_27 = tpu.memref_squeeze %dma_wait3A_26 : memref<1x624x72xf32, #tpu.memory_space<hbm>> -> memref<624x72xf32, #tpu.memory_space<hbm>>
      %dma_wait3A_28 = arith.constant 0 : i32
      %dma_wait3A_29 = tpu.memref_slice %arg7[%mul3A_14, %dma_wait3A_28] : memref<10000x72xf32, #tpu.memory_space<vmem_shared>> -> memref<624x72xf32, #tpu.memory_space<vmem_shared>>
      tpu.wait_dma2 semaphore(%run_scoped3A : memref<!tpu.dma_semaphore, #tpu.memory_space<semaphore_mem>>) src(%dma_wait3A_29 : memref<624x72xf32, #tpu.memory_space<vmem_shared>>) dst(%dma_wait3A_27 : memref<624x72xf32, #tpu.memory_space<hbm>>)
      tpu.yield
    }) : () -> ()
    %eq3A_17 = arith.constant 0 : i32
    %eq3A_18 = arith.cmpi eq, %arg1, %eq3A_17 : i32
    %convert_element_type3A_19 = arith.extui %eq3A_18 : i1 to i32
    %cond3A_20 = arith.constant 0 : i32
    %cond3A_21 = arith.cmpi ne, %convert_element_type3A_19, %cond3A_20 : i32
    scf.if %cond3A_21 {
      "tpu.region"() ({
        %run_scoped3A = tpu.sem_alloc : memref<!tpu.dma_semaphore, #tpu.memory_space<semaphore_mem>>
        %dma_start3A = arith.constant 9984 : i32
        %dma_start3A_22 = arith.constant 0 : i32
        %dma_start3A_23 = tpu.memref_slice %arg6[%arg0, %dma_start3A, %dma_start3A_22] : memref<2x10000x72xf32, #tpu.memory_space<hbm>> -> memref<1x16x72xf32, #tpu.memory_space<hbm>>
        %dma_start3A_24 = tpu.memref_squeeze %dma_start3A_23 : memref<1x16x72xf32, #tpu.memory_space<hbm>> -> memref<16x72xf32, #tpu.memory_space<hbm>>
        %dma_start3A_25 = arith.constant 9984 : i32
        %dma_start3A_26 = arith.constant 0 : i32
        %dma_start3A_27 = tpu.memref_slice %arg7[%dma_start3A_25, %dma_start3A_26] : memref<10000x72xf32, #tpu.memory_space<vmem_shared>> -> memref<16x72xf32, #tpu.memory_space<vmem_shared>>
        tpu.enqueue_dma source(%dma_start3A_27 : memref<16x72xf32, #tpu.memory_space<vmem_shared>>) target(%dma_start3A_24 : memref<16x72xf32, #tpu.memory_space<hbm>>) target_semaphore(%run_scoped3A : memref<!tpu.dma_semaphore, #tpu.memory_space<semaphore_mem>>)
        %dma_wait3A = arith.constant 9984 : i32
        %dma_wait3A_28 = arith.constant 0 : i32
        %dma_wait3A_29 = tpu.memref_slice %arg6[%arg0, %dma_wait3A, %dma_wait3A_28] : memref<2x10000x72xf32, #tpu.memory_space<hbm>> -> memref<1x16x72xf32, #tpu.memory_space<hbm>>
        %dma_wait3A_30 = tpu.memref_squeeze %dma_wait3A_29 : memref<1x16x72xf32, #tpu.memory_space<hbm>> -> memref<16x72xf32, #tpu.memory_space<hbm>>
        %dma_wait3A_31 = arith.constant 9984 : i32
        %dma_wait3A_32 = arith.constant 0 : i32
        %dma_wait3A_33 = tpu.memref_slice %arg7[%dma_wait3A_31, %dma_wait3A_32] : memref<10000x72xf32, #tpu.memory_space<vmem_shared>> -> memref<16x72xf32, #tpu.memory_space<vmem_shared>>
        tpu.wait_dma2 semaphore(%run_scoped3A : memref<!tpu.dma_semaphore, #tpu.memory_space<semaphore_mem>>) src(%dma_wait3A_33 : memref<16x72xf32, #tpu.memory_space<vmem_shared>>) dst(%dma_wait3A_30 : memref<16x72xf32, #tpu.memory_space<hbm>>)
        tpu.yield
      }) : () -> ()
    } else {
    }
    return
  }
}

#map = affine_map<(d0, d1) -> (0, 0)>
#map1 = affine_map<(d0, d1) -> (0)>
#map2 = affine_map<(d0, d1) -> (0, 0, 0)>
module attributes {stable_mosaic.version = 14 : i64} {
  func.func @body(%arg0: i32, %arg1: i32, %arg2: memref<50000x64xf32, #tpu.memory_space<hbm>>, %arg3: memref<320000xi32, #tpu.memory_space<hbm>>, %arg4: memref<320000xi32, #tpu.memory_space<hbm>>, %arg5: memref<640x64xf32, #tpu.memory_space<hbm>>, %arg6: memref<2x10000x64xf32, #tpu.memory_space<hbm>>, %arg7: memref<10000x64xf32, #tpu.memory_space<vmem_shared>>, %arg8: memref<80xi32, #tpu.memory_space<vmem>>, %arg9: memref<80xi32, #tpu.memory_space<vmem>>, %arg10: memref<80x64xf32, #tpu.memory_space<vmem>>, %arg11: memref<!tpu.dma_semaphore, #tpu.memory_space<semaphore_mem>>) attributes {dimension_semantics = [#tpu.dimension_semantics<core_parallel>, #tpu.dimension_semantics<subcore_parallel>], iteration_bounds = array<i64: 2, 16>, scalar_prefetch = 0 : i64, scratch_operands = 5 : i64, tpu.core_type = #tpu.core_type<sc_vector_subcore>, window_params = [{transform_indices = #map}, {transform_indices = #map1}, {transform_indices = #map1}, {transform_indices = #map}, {transform_indices = #map2}]} {
    %mul3A = arith.constant 16 : i32
    %mul3A_0 = arith.muli %arg0, %mul3A : i32
    %add3A = arith.addi %mul3A_0, %arg1 : i32
    %mul3A_1 = arith.constant 624 : i32
    %mul3A_2 = arith.muli %arg1, %mul3A_1 : i32
    "tpu.region"() ({
      %run_scoped3A = tpu.sem_alloc : memref<!tpu.dma_semaphore, #tpu.memory_space<semaphore_mem>>
      %dma_start3A = arith.constant 0 : i32
      %dma_start3A_22 = tpu.memref_slice %arg7[%mul3A_2, %dma_start3A] : memref<10000x64xf32, #tpu.memory_space<vmem_shared>> -> memref<624x64xf32, #tpu.memory_space<vmem_shared>>
      %dma_start3A_23 = arith.constant 0 : i32
      %dma_start3A_24 = arith.constant 0 : i32
      %dma_start3A_25 = tpu.memref_slice %arg5[%dma_start3A_23, %dma_start3A_24] : memref<640x64xf32, #tpu.memory_space<hbm>> -> memref<624x64xf32, #tpu.memory_space<hbm>>
      tpu.enqueue_dma source(%dma_start3A_25 : memref<624x64xf32, #tpu.memory_space<hbm>>) target(%dma_start3A_22 : memref<624x64xf32, #tpu.memory_space<vmem_shared>>) target_semaphore(%run_scoped3A : memref<!tpu.dma_semaphore, #tpu.memory_space<semaphore_mem>>)
      %dma_wait3A = arith.constant 0 : i32
      %dma_wait3A_26 = tpu.memref_slice %arg7[%mul3A_2, %dma_wait3A] : memref<10000x64xf32, #tpu.memory_space<vmem_shared>> -> memref<624x64xf32, #tpu.memory_space<vmem_shared>>
      %dma_wait3A_27 = arith.constant 0 : i32
      %dma_wait3A_28 = arith.constant 0 : i32
      %dma_wait3A_29 = tpu.memref_slice %arg5[%dma_wait3A_27, %dma_wait3A_28] : memref<640x64xf32, #tpu.memory_space<hbm>> -> memref<624x64xf32, #tpu.memory_space<hbm>>
      tpu.wait_dma2 semaphore(%run_scoped3A : memref<!tpu.dma_semaphore, #tpu.memory_space<semaphore_mem>>) src(%dma_wait3A_29 : memref<624x64xf32, #tpu.memory_space<hbm>>) dst(%dma_wait3A_26 : memref<624x64xf32, #tpu.memory_space<vmem_shared>>)
      tpu.yield
    }) : () -> ()
    %eq3A = arith.constant 0 : i32
    %eq3A_3 = arith.cmpi eq, %arg1, %eq3A : i32
    %convert_element_type3A = arith.extui %eq3A_3 : i1 to i32
    %cond3A = arith.constant 0 : i32
    %cond3A_4 = arith.cmpi ne, %convert_element_type3A, %cond3A : i32
    scf.if %cond3A_4 {
      "tpu.region"() ({
        %run_scoped3A = tpu.sem_alloc : memref<!tpu.dma_semaphore, #tpu.memory_space<semaphore_mem>>
        %dma_start3A = arith.constant 9984 : i32
        %dma_start3A_22 = arith.constant 0 : i32
        %dma_start3A_23 = tpu.memref_slice %arg7[%dma_start3A, %dma_start3A_22] : memref<10000x64xf32, #tpu.memory_space<vmem_shared>> -> memref<16x64xf32, #tpu.memory_space<vmem_shared>>
        %dma_start3A_24 = arith.constant 0 : i32
        %dma_start3A_25 = arith.constant 0 : i32
        %dma_start3A_26 = tpu.memref_slice %arg5[%dma_start3A_24, %dma_start3A_25] : memref<640x64xf32, #tpu.memory_space<hbm>> -> memref<16x64xf32, #tpu.memory_space<hbm>>
        tpu.enqueue_dma source(%dma_start3A_26 : memref<16x64xf32, #tpu.memory_space<hbm>>) target(%dma_start3A_23 : memref<16x64xf32, #tpu.memory_space<vmem_shared>>) target_semaphore(%run_scoped3A : memref<!tpu.dma_semaphore, #tpu.memory_space<semaphore_mem>>)
        %dma_wait3A = arith.constant 9984 : i32
        %dma_wait3A_27 = arith.constant 0 : i32
        %dma_wait3A_28 = tpu.memref_slice %arg7[%dma_wait3A, %dma_wait3A_27] : memref<10000x64xf32, #tpu.memory_space<vmem_shared>> -> memref<16x64xf32, #tpu.memory_space<vmem_shared>>
        %dma_wait3A_29 = arith.constant 0 : i32
        %dma_wait3A_30 = arith.constant 0 : i32
        %dma_wait3A_31 = tpu.memref_slice %arg5[%dma_wait3A_29, %dma_wait3A_30] : memref<640x64xf32, #tpu.memory_space<hbm>> -> memref<16x64xf32, #tpu.memory_space<hbm>>
        tpu.wait_dma2 semaphore(%run_scoped3A : memref<!tpu.dma_semaphore, #tpu.memory_space<semaphore_mem>>) src(%dma_wait3A_31 : memref<16x64xf32, #tpu.memory_space<hbm>>) dst(%dma_wait3A_28 : memref<16x64xf32, #tpu.memory_space<vmem_shared>>)
        tpu.yield
      }) : () -> ()
    } else {
    }
    %barrier3A = arith.constant 0 : index
    tpu.barrier barrier_id(%barrier3A)
    %mul3A_5 = arith.constant 10000 : i32
    %mul3A_6 = arith.muli %add3A, %mul3A_5 : i32
    %scan3A = arith.constant 0 : i32
    %scan3A_7 = arith.constant 0 : i32
    %scan3A_8 = arith.constant 125 : i32
    %scan3A_9 = arith.addi %scan3A_7, %scan3A_8 : i32
    %scan3A_10 = arith.constant 1 : i32
    scf.for %scan3A_22 = %scan3A_7 to %scan3A_9 step %scan3A_10  : i32 {
      %mul3A_23 = arith.constant 80 : i32
      %mul3A_24 = arith.muli %scan3A_22, %mul3A_23 : i32
      %add3A_25 = arith.addi %mul3A_6, %mul3A_24 : i32
      "tpu.region"() ({
        %run_scoped3A = tpu.sem_alloc : memref<!tpu.dma_semaphore, #tpu.memory_space<semaphore_mem>>
        %dma_start3A_30 = tpu.memref_slice %arg3[%add3A_25] : memref<320000xi32, #tpu.memory_space<hbm>> -> memref<80xi32, #tpu.memory_space<hbm>>
        %dma_start3A_31 = tpu.memref_slice %arg3[%add3A_25] : memref<320000xi32, #tpu.memory_space<hbm>> -> memref<80xi32, #tpu.memory_space<hbm>>
        tpu.enqueue_dma source(%dma_start3A_31 : memref<80xi32, #tpu.memory_space<hbm>>) target(%arg8 : memref<80xi32, #tpu.memory_space<vmem>>) target_semaphore(%run_scoped3A : memref<!tpu.dma_semaphore, #tpu.memory_space<semaphore_mem>>)
        %dma_wait3A_32 = tpu.memref_slice %arg3[%add3A_25] : memref<320000xi32, #tpu.memory_space<hbm>> -> memref<80xi32, #tpu.memory_space<hbm>>
        %dma_wait3A_33 = tpu.memref_slice %arg3[%add3A_25] : memref<320000xi32, #tpu.memory_space<hbm>> -> memref<80xi32, #tpu.memory_space<hbm>>
        tpu.wait_dma2 semaphore(%run_scoped3A : memref<!tpu.dma_semaphore, #tpu.memory_space<semaphore_mem>>) src(%dma_wait3A_33 : memref<80xi32, #tpu.memory_space<hbm>>) dst(%arg8 : memref<80xi32, #tpu.memory_space<vmem>>)
        tpu.yield
      }) : () -> ()
      "tpu.region"() ({
        %run_scoped3A = tpu.sem_alloc : memref<!tpu.dma_semaphore, #tpu.memory_space<semaphore_mem>>
        %dma_start3A_30 = tpu.memref_slice %arg4[%add3A_25] : memref<320000xi32, #tpu.memory_space<hbm>> -> memref<80xi32, #tpu.memory_space<hbm>>
        %dma_start3A_31 = tpu.memref_slice %arg4[%add3A_25] : memref<320000xi32, #tpu.memory_space<hbm>> -> memref<80xi32, #tpu.memory_space<hbm>>
        tpu.enqueue_dma source(%dma_start3A_31 : memref<80xi32, #tpu.memory_space<hbm>>) target(%arg9 : memref<80xi32, #tpu.memory_space<vmem>>) target_semaphore(%run_scoped3A : memref<!tpu.dma_semaphore, #tpu.memory_space<semaphore_mem>>)
        %dma_wait3A_32 = tpu.memref_slice %arg4[%add3A_25] : memref<320000xi32, #tpu.memory_space<hbm>> -> memref<80xi32, #tpu.memory_space<hbm>>
        %dma_wait3A_33 = tpu.memref_slice %arg4[%add3A_25] : memref<320000xi32, #tpu.memory_space<hbm>> -> memref<80xi32, #tpu.memory_space<hbm>>
        tpu.wait_dma2 semaphore(%run_scoped3A : memref<!tpu.dma_semaphore, #tpu.memory_space<semaphore_mem>>) src(%dma_wait3A_33 : memref<80xi32, #tpu.memory_space<hbm>>) dst(%arg9 : memref<80xi32, #tpu.memory_space<vmem>>)
        tpu.yield
      }) : () -> ()
      %dma_start3A = arith.constant 0 : i32
      %dma_start3A_26 = arith.constant 0 : i32
      %dma_start3A_27 = tpu.memref_slice %arg2[%dma_start3A, %dma_start3A_26] : memref<50000x64xf32, #tpu.memory_space<hbm>> -> memref<50000x64xf32, #tpu.memory_space<hbm>>
      tpu.enqueue_indirect_dma source(%dma_start3A_27 : memref<50000x64xf32, #tpu.memory_space<hbm>>) target(%arg10 : memref<80x64xf32, #tpu.memory_space<vmem>>) offsets(%arg8 : memref<80xi32, #tpu.memory_space<vmem>>) semaphore(%arg11 : memref<!tpu.dma_semaphore, #tpu.memory_space<semaphore_mem>>)
      %dma_wait3A = arith.constant 0 : i32
      %dma_wait3A_28 = arith.constant 0 : i32
      %dma_wait3A_29 = tpu.memref_slice %arg2[%dma_wait3A, %dma_wait3A_28] : memref<50000x64xf32, #tpu.memory_space<hbm>> -> memref<50000x64xf32, #tpu.memory_space<hbm>>
      tpu.wait_indirect_dma semaphore(%arg11 : memref<!tpu.dma_semaphore, #tpu.memory_space<semaphore_mem>>) src(%dma_wait3A_29 : memref<50000x64xf32, #tpu.memory_space<hbm>>) dst(%arg10 : memref<80x64xf32, #tpu.memory_space<vmem>>)
      "tpu.region"() ({
        %run_scoped3A = tpu.sem_alloc : memref<!tpu.dma_semaphore, #tpu.memory_space<semaphore_mem>>
        %dma_start3A_30 = arith.constant 0 : i32
        %dma_start3A_31 = arith.constant 0 : i32
        %dma_start3A_32 = tpu.memref_slice %arg7[%dma_start3A_30, %dma_start3A_31] : memref<10000x64xf32, #tpu.memory_space<vmem_shared>> -> memref<10000x64xf32, #tpu.memory_space<vmem_shared>>
        tpu.enqueue_indirect_dma source(%arg10 : memref<80x64xf32, #tpu.memory_space<vmem>>) target(%dma_start3A_32 : memref<10000x64xf32, #tpu.memory_space<vmem_shared>>) offsets(%arg9 : memref<80xi32, #tpu.memory_space<vmem>>) semaphore(%run_scoped3A : memref<!tpu.dma_semaphore, #tpu.memory_space<semaphore_mem>>) {add = true}
        %dma_wait3A_33 = arith.constant 0 : i32
        %dma_wait3A_34 = arith.constant 0 : i32
        %dma_wait3A_35 = tpu.memref_slice %arg7[%dma_wait3A_33, %dma_wait3A_34] : memref<10000x64xf32, #tpu.memory_space<vmem_shared>> -> memref<10000x64xf32, #tpu.memory_space<vmem_shared>>
        tpu.wait_indirect_dma semaphore(%run_scoped3A : memref<!tpu.dma_semaphore, #tpu.memory_space<semaphore_mem>>) src(%arg10 : memref<80x64xf32, #tpu.memory_space<vmem>>) dst(%dma_wait3A_35 : memref<10000x64xf32, #tpu.memory_space<vmem_shared>>)
        tpu.yield
      }) : () -> ()
    }
    %scan3A_11 = arith.constant 125 : i32
    %barrier3A_12 = arith.constant 0 : index
    tpu.barrier barrier_id(%barrier3A_12)
    %mul3A_13 = arith.constant 624 : i32
    %mul3A_14 = arith.muli %arg1, %mul3A_13 : i32
    %mul3A_15 = arith.constant 624 : i32
    %mul3A_16 = arith.muli %arg1, %mul3A_15 : i32
    "tpu.region"() ({
      %run_scoped3A = tpu.sem_alloc : memref<!tpu.dma_semaphore, #tpu.memory_space<semaphore_mem>>
      %dma_start3A = arith.constant 0 : i32
      %dma_start3A_22 = tpu.memref_slice %arg6[%arg0, %mul3A_16, %dma_start3A] : memref<2x10000x64xf32, #tpu.memory_space<hbm>> -> memref<1x624x64xf32, #tpu.memory_space<hbm>>
      %dma_start3A_23 = tpu.memref_squeeze %dma_start3A_22 : memref<1x624x64xf32, #tpu.memory_space<hbm>> -> memref<624x64xf32, #tpu.memory_space<hbm>>
      %dma_start3A_24 = arith.constant 0 : i32
      %dma_start3A_25 = tpu.memref_slice %arg7[%mul3A_14, %dma_start3A_24] : memref<10000x64xf32, #tpu.memory_space<vmem_shared>> -> memref<624x64xf32, #tpu.memory_space<vmem_shared>>
      tpu.enqueue_dma source(%dma_start3A_25 : memref<624x64xf32, #tpu.memory_space<vmem_shared>>) target(%dma_start3A_23 : memref<624x64xf32, #tpu.memory_space<hbm>>) target_semaphore(%run_scoped3A : memref<!tpu.dma_semaphore, #tpu.memory_space<semaphore_mem>>)
      %dma_wait3A = arith.constant 0 : i32
      %dma_wait3A_26 = tpu.memref_slice %arg6[%arg0, %mul3A_16, %dma_wait3A] : memref<2x10000x64xf32, #tpu.memory_space<hbm>> -> memref<1x624x64xf32, #tpu.memory_space<hbm>>
      %dma_wait3A_27 = tpu.memref_squeeze %dma_wait3A_26 : memref<1x624x64xf32, #tpu.memory_space<hbm>> -> memref<624x64xf32, #tpu.memory_space<hbm>>
      %dma_wait3A_28 = arith.constant 0 : i32
      %dma_wait3A_29 = tpu.memref_slice %arg7[%mul3A_14, %dma_wait3A_28] : memref<10000x64xf32, #tpu.memory_space<vmem_shared>> -> memref<624x64xf32, #tpu.memory_space<vmem_shared>>
      tpu.wait_dma2 semaphore(%run_scoped3A : memref<!tpu.dma_semaphore, #tpu.memory_space<semaphore_mem>>) src(%dma_wait3A_29 : memref<624x64xf32, #tpu.memory_space<vmem_shared>>) dst(%dma_wait3A_27 : memref<624x64xf32, #tpu.memory_space<hbm>>)
      tpu.yield
    }) : () -> ()
    %eq3A_17 = arith.constant 0 : i32
    %eq3A_18 = arith.cmpi eq, %arg1, %eq3A_17 : i32
    %convert_element_type3A_19 = arith.extui %eq3A_18 : i1 to i32
    %cond3A_20 = arith.constant 0 : i32
    %cond3A_21 = arith.cmpi ne, %convert_element_type3A_19, %cond3A_20 : i32
    scf.if %cond3A_21 {
      "tpu.region"() ({
        %run_scoped3A = tpu.sem_alloc : memref<!tpu.dma_semaphore, #tpu.memory_space<semaphore_mem>>
        %dma_start3A = arith.constant 9984 : i32
        %dma_start3A_22 = arith.constant 0 : i32
        %dma_start3A_23 = tpu.memref_slice %arg6[%arg0, %dma_start3A, %dma_start3A_22] : memref<2x10000x64xf32, #tpu.memory_space<hbm>> -> memref<1x16x64xf32, #tpu.memory_space<hbm>>
        %dma_start3A_24 = tpu.memref_squeeze %dma_start3A_23 : memref<1x16x64xf32, #tpu.memory_space<hbm>> -> memref<16x64xf32, #tpu.memory_space<hbm>>
        %dma_start3A_25 = arith.constant 9984 : i32
        %dma_start3A_26 = arith.constant 0 : i32
        %dma_start3A_27 = tpu.memref_slice %arg7[%dma_start3A_25, %dma_start3A_26] : memref<10000x64xf32, #tpu.memory_space<vmem_shared>> -> memref<16x64xf32, #tpu.memory_space<vmem_shared>>
        tpu.enqueue_dma source(%dma_start3A_27 : memref<16x64xf32, #tpu.memory_space<vmem_shared>>) target(%dma_start3A_24 : memref<16x64xf32, #tpu.memory_space<hbm>>) target_semaphore(%run_scoped3A : memref<!tpu.dma_semaphore, #tpu.memory_space<semaphore_mem>>)
        %dma_wait3A = arith.constant 9984 : i32
        %dma_wait3A_28 = arith.constant 0 : i32
        %dma_wait3A_29 = tpu.memref_slice %arg6[%arg0, %dma_wait3A, %dma_wait3A_28] : memref<2x10000x64xf32, #tpu.memory_space<hbm>> -> memref<1x16x64xf32, #tpu.memory_space<hbm>>
        %dma_wait3A_30 = tpu.memref_squeeze %dma_wait3A_29 : memref<1x16x64xf32, #tpu.memory_space<hbm>> -> memref<16x64xf32, #tpu.memory_space<hbm>>
        %dma_wait3A_31 = arith.constant 9984 : i32
        %dma_wait3A_32 = arith.constant 0 : i32
        %dma_wait3A_33 = tpu.memref_slice %arg7[%dma_wait3A_31, %dma_wait3A_32] : memref<10000x64xf32, #tpu.memory_space<vmem_shared>> -> memref<16x64xf32, #tpu.memory_space<vmem_shared>>
        tpu.wait_dma2 semaphore(%run_scoped3A : memref<!tpu.dma_semaphore, #tpu.memory_space<semaphore_mem>>) src(%dma_wait3A_33 : memref<16x64xf32, #tpu.memory_space<vmem_shared>>) dst(%dma_wait3A_30 : memref<16x64xf32, #tpu.memory_space<hbm>>)
        tpu.yield
      }) : () -> ()
    } else {
    }
    return
  }
}

#map = affine_map<(d0, d1) -> (0, 0)>
#map1 = affine_map<(d0, d1) -> (0)>
module attributes {stable_mosaic.version = 14 : i64} {
  func.func @_item_sum_body(%arg0: i32, %arg1: i32, %arg2: memref<10000x72xf32, #tpu.memory_space<hbm>>, %arg3: memref<320000xi32, #tpu.memory_space<hbm>>, %arg4: memref<320000xi32, #tpu.memory_space<hbm>>, %arg5: memref<1608x72xf32, #tpu.memory_space<hbm>>, %arg6: memref<50000x72xf32, #tpu.memory_space<hbm>>, %arg7: memref<25008x72xf32, #tpu.memory_space<vmem_shared>>, %arg8: memref<80xi32, #tpu.memory_space<vmem>>, %arg9: memref<80xi32, #tpu.memory_space<vmem>>, %arg10: memref<80x72xf32, #tpu.memory_space<vmem>>, %arg11: memref<!tpu.dma_semaphore, #tpu.memory_space<semaphore_mem>>) attributes {dimension_semantics = [#tpu.dimension_semantics<core_parallel>, #tpu.dimension_semantics<subcore_parallel>], iteration_bounds = array<i64: 2, 16>, scalar_prefetch = 0 : i64, scratch_operands = 5 : i64, tpu.core_type = #tpu.core_type<sc_vector_subcore>, window_params = [{transform_indices = #map}, {transform_indices = #map1}, {transform_indices = #map1}, {transform_indices = #map}, {transform_indices = #map}]} {
    %mul3A = arith.constant 1560 : i32
    %mul3A_0 = arith.muli %arg1, %mul3A : i32
    "tpu.region"() ({
      %run_scoped3A = tpu.sem_alloc : memref<!tpu.dma_semaphore, #tpu.memory_space<semaphore_mem>>
      %dma_start3A = arith.constant 0 : i32
      %dma_start3A_22 = tpu.memref_slice %arg7[%mul3A_0, %dma_start3A] : memref<25008x72xf32, #tpu.memory_space<vmem_shared>> -> memref<1560x72xf32, #tpu.memory_space<vmem_shared>>
      %dma_start3A_23 = arith.constant 0 : i32
      %dma_start3A_24 = arith.constant 0 : i32
      %dma_start3A_25 = tpu.memref_slice %arg5[%dma_start3A_23, %dma_start3A_24] : memref<1608x72xf32, #tpu.memory_space<hbm>> -> memref<1560x72xf32, #tpu.memory_space<hbm>>
      tpu.enqueue_dma source(%dma_start3A_25 : memref<1560x72xf32, #tpu.memory_space<hbm>>) target(%dma_start3A_22 : memref<1560x72xf32, #tpu.memory_space<vmem_shared>>) target_semaphore(%run_scoped3A : memref<!tpu.dma_semaphore, #tpu.memory_space<semaphore_mem>>)
      %dma_wait3A = arith.constant 0 : i32
      %dma_wait3A_26 = tpu.memref_slice %arg7[%mul3A_0, %dma_wait3A] : memref<25008x72xf32, #tpu.memory_space<vmem_shared>> -> memref<1560x72xf32, #tpu.memory_space<vmem_shared>>
      %dma_wait3A_27 = arith.constant 0 : i32
      %dma_wait3A_28 = arith.constant 0 : i32
      %dma_wait3A_29 = tpu.memref_slice %arg5[%dma_wait3A_27, %dma_wait3A_28] : memref<1608x72xf32, #tpu.memory_space<hbm>> -> memref<1560x72xf32, #tpu.memory_space<hbm>>
      tpu.wait_dma2 semaphore(%run_scoped3A : memref<!tpu.dma_semaphore, #tpu.memory_space<semaphore_mem>>) src(%dma_wait3A_29 : memref<1560x72xf32, #tpu.memory_space<hbm>>) dst(%dma_wait3A_26 : memref<1560x72xf32, #tpu.memory_space<vmem_shared>>)
      tpu.yield
    }) : () -> ()
    %eq3A = arith.constant 0 : i32
    %eq3A_1 = arith.cmpi eq, %arg1, %eq3A : i32
    %convert_element_type3A = arith.extui %eq3A_1 : i1 to i32
    %cond3A = arith.constant 0 : i32
    %cond3A_2 = arith.cmpi ne, %convert_element_type3A, %cond3A : i32
    scf.if %cond3A_2 {
      "tpu.region"() ({
        %run_scoped3A = tpu.sem_alloc : memref<!tpu.dma_semaphore, #tpu.memory_space<semaphore_mem>>
        %dma_start3A = arith.constant 24960 : i32
        %dma_start3A_22 = arith.constant 0 : i32
        %dma_start3A_23 = tpu.memref_slice %arg7[%dma_start3A, %dma_start3A_22] : memref<25008x72xf32, #tpu.memory_space<vmem_shared>> -> memref<48x72xf32, #tpu.memory_space<vmem_shared>>
        %dma_start3A_24 = arith.constant 0 : i32
        %dma_start3A_25 = arith.constant 0 : i32
        %dma_start3A_26 = tpu.memref_slice %arg5[%dma_start3A_24, %dma_start3A_25] : memref<1608x72xf32, #tpu.memory_space<hbm>> -> memref<48x72xf32, #tpu.memory_space<hbm>>
        tpu.enqueue_dma source(%dma_start3A_26 : memref<48x72xf32, #tpu.memory_space<hbm>>) target(%dma_start3A_23 : memref<48x72xf32, #tpu.memory_space<vmem_shared>>) target_semaphore(%run_scoped3A : memref<!tpu.dma_semaphore, #tpu.memory_space<semaphore_mem>>)
        %dma_wait3A = arith.constant 24960 : i32
        %dma_wait3A_27 = arith.constant 0 : i32
        %dma_wait3A_28 = tpu.memref_slice %arg7[%dma_wait3A, %dma_wait3A_27] : memref<25008x72xf32, #tpu.memory_space<vmem_shared>> -> memref<48x72xf32, #tpu.memory_space<vmem_shared>>
        %dma_wait3A_29 = arith.constant 0 : i32
        %dma_wait3A_30 = arith.constant 0 : i32
        %dma_wait3A_31 = tpu.memref_slice %arg5[%dma_wait3A_29, %dma_wait3A_30] : memref<1608x72xf32, #tpu.memory_space<hbm>> -> memref<48x72xf32, #tpu.memory_space<hbm>>
        tpu.wait_dma2 semaphore(%run_scoped3A : memref<!tpu.dma_semaphore, #tpu.memory_space<semaphore_mem>>) src(%dma_wait3A_31 : memref<48x72xf32, #tpu.memory_space<hbm>>) dst(%dma_wait3A_28 : memref<48x72xf32, #tpu.memory_space<vmem_shared>>)
        tpu.yield
      }) : () -> ()
    } else {
    }
    %barrier3A = arith.constant 0 : index
    tpu.barrier barrier_id(%barrier3A)
    %mul3A_3 = arith.constant 25000 : i32
    %mul3A_4 = arith.muli %arg0, %mul3A_3 : i32
    %mul3A_5 = arith.constant 20000 : i32
    %mul3A_6 = arith.muli %arg1, %mul3A_5 : i32
    %scan3A = arith.constant 0 : i32
    %scan3A_7 = arith.constant 0 : i32
    %scan3A_8 = arith.constant 250 : i32
    %scan3A_9 = arith.addi %scan3A_7, %scan3A_8 : i32
    %scan3A_10 = arith.constant 1 : i32
    scf.for %scan3A_22 = %scan3A_7 to %scan3A_9 step %scan3A_10  : i32 {
      %mul3A_23 = arith.constant 80 : i32
      %mul3A_24 = arith.muli %scan3A_22, %mul3A_23 : i32
      %add3A_25 = arith.addi %mul3A_6, %mul3A_24 : i32
      "tpu.region"() ({
        %run_scoped3A = tpu.sem_alloc : memref<!tpu.dma_semaphore, #tpu.memory_space<semaphore_mem>>
        %dma_start3A_116 = tpu.memref_slice %arg4[%add3A_25] : memref<320000xi32, #tpu.memory_space<hbm>> -> memref<80xi32, #tpu.memory_space<hbm>>
        %dma_start3A_117 = tpu.memref_slice %arg4[%add3A_25] : memref<320000xi32, #tpu.memory_space<hbm>> -> memref<80xi32, #tpu.memory_space<hbm>>
        tpu.enqueue_dma source(%dma_start3A_117 : memref<80xi32, #tpu.memory_space<hbm>>) target(%arg8 : memref<80xi32, #tpu.memory_space<vmem>>) target_semaphore(%run_scoped3A : memref<!tpu.dma_semaphore, #tpu.memory_space<semaphore_mem>>)
        %dma_wait3A_118 = tpu.memref_slice %arg4[%add3A_25] : memref<320000xi32, #tpu.memory_space<hbm>> -> memref<80xi32, #tpu.memory_space<hbm>>
        %dma_wait3A_119 = tpu.memref_slice %arg4[%add3A_25] : memref<320000xi32, #tpu.memory_space<hbm>> -> memref<80xi32, #tpu.memory_space<hbm>>
        tpu.wait_dma2 semaphore(%run_scoped3A : memref<!tpu.dma_semaphore, #tpu.memory_space<semaphore_mem>>) src(%dma_wait3A_119 : memref<80xi32, #tpu.memory_space<hbm>>) dst(%arg8 : memref<80xi32, #tpu.memory_space<vmem>>)
        tpu.yield
      }) : () -> ()
      "tpu.region"() ({
        %run_scoped3A = tpu.sem_alloc : memref<!tpu.dma_semaphore, #tpu.memory_space<semaphore_mem>>
        %dma_start3A_116 = tpu.memref_slice %arg3[%add3A_25] : memref<320000xi32, #tpu.memory_space<hbm>> -> memref<80xi32, #tpu.memory_space<hbm>>
        %dma_start3A_117 = tpu.memref_slice %arg3[%add3A_25] : memref<320000xi32, #tpu.memory_space<hbm>> -> memref<80xi32, #tpu.memory_space<hbm>>
        tpu.enqueue_dma source(%dma_start3A_117 : memref<80xi32, #tpu.memory_space<hbm>>) target(%arg9 : memref<80xi32, #tpu.memory_space<vmem>>) target_semaphore(%run_scoped3A : memref<!tpu.dma_semaphore, #tpu.memory_space<semaphore_mem>>)
        %dma_wait3A_118 = tpu.memref_slice %arg3[%add3A_25] : memref<320000xi32, #tpu.memory_space<hbm>> -> memref<80xi32, #tpu.memory_space<hbm>>
        %dma_wait3A_119 = tpu.memref_slice %arg3[%add3A_25] : memref<320000xi32, #tpu.memory_space<hbm>> -> memref<80xi32, #tpu.memory_space<hbm>>
        tpu.wait_dma2 semaphore(%run_scoped3A : memref<!tpu.dma_semaphore, #tpu.memory_space<semaphore_mem>>) src(%dma_wait3A_119 : memref<80xi32, #tpu.memory_space<hbm>>) dst(%arg9 : memref<80xi32, #tpu.memory_space<vmem>>)
        tpu.yield
      }) : () -> ()
      %get3A = arith.constant 0 : index
      %get3A_26 = tpu.vector_load %arg9[%get3A] {strides = array<i32>} : memref<80xi32, #tpu.memory_space<vmem>>, vector<16xi32>,
      %get3A_27 = vector.shape_cast %get3A_26 : vector<16xi32> to vector<16xi32>
      %sub3A = vector.broadcast %mul3A_4 : i32 to vector<16xi32>
      %sub3A_28 = arith.subi %get3A_27, %sub3A : vector<16xi32>
      %ge3A = arith.constant 0 : i32
      %ge3A_29 = vector.broadcast %ge3A : i32 to vector<16xi32>
      %ge3A_30 = arith.cmpi sge, %sub3A_28, %ge3A_29 : vector<16xi32>
      %lt3A = arith.constant 25000 : i32
      %lt3A_31 = vector.broadcast %lt3A : i32 to vector<16xi32>
      %lt3A_32 = arith.cmpi slt, %sub3A_28, %lt3A_31 : vector<16xi32>
      %and3A = arith.andi %ge3A_30, %lt3A_32 : vector<16xi1>
      %jit3A = arith.constant 25000 : i32
      %broadcast_in_dim3A = vector.broadcast %jit3A : i32 to vector<16xi32>
      %select_n3A = arith.select %and3A, %sub3A_28, %broadcast_in_dim3A : vector<16xi1>, vector<16xi32>
      %swap3A = arith.constant 0 : index
      %swap3A_33 = tpu.vector_load %arg9[%swap3A] {strides = array<i32>} : memref<80xi32, #tpu.memory_space<vmem>>, vector<16xi32>,
      %swap3A_34 = vector.shape_cast %swap3A_33 : vector<16xi32> to vector<16xi32>
      %swap3A_35 = vector.shape_cast %select_n3A : vector<16xi32> to vector<16xi32>
      tpu.vector_store %arg9[%swap3A], %swap3A_35 {strides = array<i32>} : memref<80xi32, #tpu.memory_space<vmem>>, vector<16xi32>,
      %get3A_36 = arith.constant 16 : index
      %get3A_37 = tpu.vector_load %arg9[%get3A_36] {strides = array<i32>} : memref<80xi32, #tpu.memory_space<vmem>>, vector<16xi32>,
      %get3A_38 = vector.shape_cast %get3A_37 : vector<16xi32> to vector<16xi32>
      %sub3A_39 = vector.broadcast %mul3A_4 : i32 to vector<16xi32>
      %sub3A_40 = arith.subi %get3A_38, %sub3A_39 : vector<16xi32>
      %ge3A_41 = arith.constant 0 : i32
      %ge3A_42 = vector.broadcast %ge3A_41 : i32 to vector<16xi32>
      %ge3A_43 = arith.cmpi sge, %sub3A_40, %ge3A_42 : vector<16xi32>
      %lt3A_44 = arith.constant 25000 : i32
      %lt3A_45 = vector.broadcast %lt3A_44 : i32 to vector<16xi32>
      %lt3A_46 = arith.cmpi slt, %sub3A_40, %lt3A_45 : vector<16xi32>
      %and3A_47 = arith.andi %ge3A_43, %lt3A_46 : vector<16xi1>
      %jit3A_48 = arith.constant 25000 : i32
      %broadcast_in_dim3A_49 = vector.broadcast %jit3A_48 : i32 to vector<16xi32>
      %select_n3A_50 = arith.select %and3A_47, %sub3A_40, %broadcast_in_dim3A_49 : vector<16xi1>, vector<16xi32>
      %swap3A_51 = arith.constant 16 : index
      %swap3A_52 = tpu.vector_load %arg9[%swap3A_51] {strides = array<i32>} : memref<80xi32, #tpu.memory_space<vmem>>, vector<16xi32>,
      %swap3A_53 = vector.shape_cast %swap3A_52 : vector<16xi32> to vector<16xi32>
      %swap3A_54 = vector.shape_cast %select_n3A_50 : vector<16xi32> to vector<16xi32>
      tpu.vector_store %arg9[%swap3A_51], %swap3A_54 {strides = array<i32>} : memref<80xi32, #tpu.memory_space<vmem>>, vector<16xi32>,
      %get3A_55 = arith.constant 32 : index
      %get3A_56 = tpu.vector_load %arg9[%get3A_55] {strides = array<i32>} : memref<80xi32, #tpu.memory_space<vmem>>, vector<16xi32>,
      %get3A_57 = vector.shape_cast %get3A_56 : vector<16xi32> to vector<16xi32>
      %sub3A_58 = vector.broadcast %mul3A_4 : i32 to vector<16xi32>
      %sub3A_59 = arith.subi %get3A_57, %sub3A_58 : vector<16xi32>
      %ge3A_60 = arith.constant 0 : i32
      %ge3A_61 = vector.broadcast %ge3A_60 : i32 to vector<16xi32>
      %ge3A_62 = arith.cmpi sge, %sub3A_59, %ge3A_61 : vector<16xi32>
      %lt3A_63 = arith.constant 25000 : i32
      %lt3A_64 = vector.broadcast %lt3A_63 : i32 to vector<16xi32>
      %lt3A_65 = arith.cmpi slt, %sub3A_59, %lt3A_64 : vector<16xi32>
      %and3A_66 = arith.andi %ge3A_62, %lt3A_65 : vector<16xi1>
      %jit3A_67 = arith.constant 25000 : i32
      %broadcast_in_dim3A_68 = vector.broadcast %jit3A_67 : i32 to vector<16xi32>
      %select_n3A_69 = arith.select %and3A_66, %sub3A_59, %broadcast_in_dim3A_68 : vector<16xi1>, vector<16xi32>
      %swap3A_70 = arith.constant 32 : index
      %swap3A_71 = tpu.vector_load %arg9[%swap3A_70] {strides = array<i32>} : memref<80xi32, #tpu.memory_space<vmem>>, vector<16xi32>,
      %swap3A_72 = vector.shape_cast %swap3A_71 : vector<16xi32> to vector<16xi32>
      %swap3A_73 = vector.shape_cast %select_n3A_69 : vector<16xi32> to vector<16xi32>
      tpu.vector_store %arg9[%swap3A_70], %swap3A_73 {strides = array<i32>} : memref<80xi32, #tpu.memory_space<vmem>>, vector<16xi32>,
      %get3A_74 = arith.constant 48 : index
      %get3A_75 = tpu.vector_load %arg9[%get3A_74] {strides = array<i32>} : memref<80xi32, #tpu.memory_space<vmem>>, vector<16xi32>,
      %get3A_76 = vector.shape_cast %get3A_75 : vector<16xi32> to vector<16xi32>
      %sub3A_77 = vector.broadcast %mul3A_4 : i32 to vector<16xi32>
      %sub3A_78 = arith.subi %get3A_76, %sub3A_77 : vector<16xi32>
      %ge3A_79 = arith.constant 0 : i32
      %ge3A_80 = vector.broadcast %ge3A_79 : i32 to vector<16xi32>
      %ge3A_81 = arith.cmpi sge, %sub3A_78, %ge3A_80 : vector<16xi32>
      %lt3A_82 = arith.constant 25000 : i32
      %lt3A_83 = vector.broadcast %lt3A_82 : i32 to vector<16xi32>
      %lt3A_84 = arith.cmpi slt, %sub3A_78, %lt3A_83 : vector<16xi32>
      %and3A_85 = arith.andi %ge3A_81, %lt3A_84 : vector<16xi1>
      %jit3A_86 = arith.constant 25000 : i32
      %broadcast_in_dim3A_87 = vector.broadcast %jit3A_86 : i32 to vector<16xi32>
      %select_n3A_88 = arith.select %and3A_85, %sub3A_78, %broadcast_in_dim3A_87 : vector<16xi1>, vector<16xi32>
      %swap3A_89 = arith.constant 48 : index
      %swap3A_90 = tpu.vector_load %arg9[%swap3A_89] {strides = array<i32>} : memref<80xi32, #tpu.memory_space<vmem>>, vector<16xi32>,
      %swap3A_91 = vector.shape_cast %swap3A_90 : vector<16xi32> to vector<16xi32>
      %swap3A_92 = vector.shape_cast %select_n3A_88 : vector<16xi32> to vector<16xi32>
      tpu.vector_store %arg9[%swap3A_89], %swap3A_92 {strides = array<i32>} : memref<80xi32, #tpu.memory_space<vmem>>, vector<16xi32>,
      %get3A_93 = arith.constant 64 : index
      %get3A_94 = tpu.vector_load %arg9[%get3A_93] {strides = array<i32>} : memref<80xi32, #tpu.memory_space<vmem>>, vector<16xi32>,
      %get3A_95 = vector.shape_cast %get3A_94 : vector<16xi32> to vector<16xi32>
      %sub3A_96 = vector.broadcast %mul3A_4 : i32 to vector<16xi32>
      %sub3A_97 = arith.subi %get3A_95, %sub3A_96 : vector<16xi32>
      %ge3A_98 = arith.constant 0 : i32
      %ge3A_99 = vector.broadcast %ge3A_98 : i32 to vector<16xi32>
      %ge3A_100 = arith.cmpi sge, %sub3A_97, %ge3A_99 : vector<16xi32>
      %lt3A_101 = arith.constant 25000 : i32
      %lt3A_102 = vector.broadcast %lt3A_101 : i32 to vector<16xi32>
      %lt3A_103 = arith.cmpi slt, %sub3A_97, %lt3A_102 : vector<16xi32>
      %and3A_104 = arith.andi %ge3A_100, %lt3A_103 : vector<16xi1>
      %jit3A_105 = arith.constant 25000 : i32
      %broadcast_in_dim3A_106 = vector.broadcast %jit3A_105 : i32 to vector<16xi32>
      %select_n3A_107 = arith.select %and3A_104, %sub3A_97, %broadcast_in_dim3A_106 : vector<16xi1>, vector<16xi32>
      %swap3A_108 = arith.constant 64 : index
      %swap3A_109 = tpu.vector_load %arg9[%swap3A_108] {strides = array<i32>} : memref<80xi32, #tpu.memory_space<vmem>>, vector<16xi32>,
      %swap3A_110 = vector.shape_cast %swap3A_109 : vector<16xi32> to vector<16xi32>
      %swap3A_111 = vector.shape_cast %select_n3A_107 : vector<16xi32> to vector<16xi32>
      tpu.vector_store %arg9[%swap3A_108], %swap3A_111 {strides = array<i32>} : memref<80xi32, #tpu.memory_space<vmem>>, vector<16xi32>,
      %dma_start3A = arith.constant 0 : i32
      %dma_start3A_112 = arith.constant 0 : i32
      %dma_start3A_113 = tpu.memref_slice %arg2[%dma_start3A, %dma_start3A_112] : memref<10000x72xf32, #tpu.memory_space<hbm>> -> memref<10000x72xf32, #tpu.memory_space<hbm>>
      tpu.enqueue_indirect_dma source(%dma_start3A_113 : memref<10000x72xf32, #tpu.memory_space<hbm>>) target(%arg10 : memref<80x72xf32, #tpu.memory_space<vmem>>) offsets(%arg8 : memref<80xi32, #tpu.memory_space<vmem>>) semaphore(%arg11 : memref<!tpu.dma_semaphore, #tpu.memory_space<semaphore_mem>>)
      %dma_wait3A = arith.constant 0 : i32
      %dma_wait3A_114 = arith.constant 0 : i32
      %dma_wait3A_115 = tpu.memref_slice %arg2[%dma_wait3A, %dma_wait3A_114] : memref<10000x72xf32, #tpu.memory_space<hbm>> -> memref<10000x72xf32, #tpu.memory_space<hbm>>
      tpu.wait_indirect_dma semaphore(%arg11 : memref<!tpu.dma_semaphore, #tpu.memory_space<semaphore_mem>>) src(%dma_wait3A_115 : memref<10000x72xf32, #tpu.memory_space<hbm>>) dst(%arg10 : memref<80x72xf32, #tpu.memory_space<vmem>>)
      "tpu.region"() ({
        %run_scoped3A = tpu.sem_alloc : memref<!tpu.dma_semaphore, #tpu.memory_space<semaphore_mem>>
        %dma_start3A_116 = arith.constant 0 : i32
        %dma_start3A_117 = arith.constant 0 : i32
        %dma_start3A_118 = tpu.memref_slice %arg7[%dma_start3A_116, %dma_start3A_117] : memref<25008x72xf32, #tpu.memory_space<vmem_shared>> -> memref<25008x72xf32, #tpu.memory_space<vmem_shared>>
        tpu.enqueue_indirect_dma source(%arg10 : memref<80x72xf32, #tpu.memory_space<vmem>>) target(%dma_start3A_118 : memref<25008x72xf32, #tpu.memory_space<vmem_shared>>) offsets(%arg9 : memref<80xi32, #tpu.memory_space<vmem>>) semaphore(%run_scoped3A : memref<!tpu.dma_semaphore, #tpu.memory_space<semaphore_mem>>) {add = true}
        %dma_wait3A_119 = arith.constant 0 : i32
        %dma_wait3A_120 = arith.constant 0 : i32
        %dma_wait3A_121 = tpu.memref_slice %arg7[%dma_wait3A_119, %dma_wait3A_120] : memref<25008x72xf32, #tpu.memory_space<vmem_shared>> -> memref<25008x72xf32, #tpu.memory_space<vmem_shared>>
        tpu.wait_indirect_dma semaphore(%run_scoped3A : memref<!tpu.dma_semaphore, #tpu.memory_space<semaphore_mem>>) src(%arg10 : memref<80x72xf32, #tpu.memory_space<vmem>>) dst(%dma_wait3A_121 : memref<25008x72xf32, #tpu.memory_space<vmem_shared>>)
        tpu.yield
      }) : () -> ()
    }
    %scan3A_11 = arith.constant 250 : i32
    %barrier3A_12 = arith.constant 0 : index
    tpu.barrier barrier_id(%barrier3A_12)
    %mul3A_13 = arith.constant 1560 : i32
    %mul3A_14 = arith.muli %arg1, %mul3A_13 : i32
    %mul3A_15 = arith.constant 1560 : i32
    %mul3A_16 = arith.muli %arg1, %mul3A_15 : i32
    %add3A = arith.addi %mul3A_4, %mul3A_16 : i32
    "tpu.region"() ({
      %run_scoped3A = tpu.sem_alloc : memref<!tpu.dma_semaphore, #tpu.memory_space<semaphore_mem>>
      %dma_start3A = arith.constant 0 : i32
      %dma_start3A_22 = tpu.memref_slice %arg6[%add3A, %dma_start3A] : memref<50000x72xf32, #tpu.memory_space<hbm>> -> memref<1560x72xf32, #tpu.memory_space<hbm>>
      %dma_start3A_23 = arith.constant 0 : i32
      %dma_start3A_24 = tpu.memref_slice %arg7[%mul3A_14, %dma_start3A_23] : memref<25008x72xf32, #tpu.memory_space<vmem_shared>> -> memref<1560x72xf32, #tpu.memory_space<vmem_shared>>
      tpu.enqueue_dma source(%dma_start3A_24 : memref<1560x72xf32, #tpu.memory_space<vmem_shared>>) target(%dma_start3A_22 : memref<1560x72xf32, #tpu.memory_space<hbm>>) target_semaphore(%run_scoped3A : memref<!tpu.dma_semaphore, #tpu.memory_space<semaphore_mem>>)
      %dma_wait3A = arith.constant 0 : i32
      %dma_wait3A_25 = tpu.memref_slice %arg6[%add3A, %dma_wait3A] : memref<50000x72xf32, #tpu.memory_space<hbm>> -> memref<1560x72xf32, #tpu.memory_space<hbm>>
      %dma_wait3A_26 = arith.constant 0 : i32
      %dma_wait3A_27 = tpu.memref_slice %arg7[%mul3A_14, %dma_wait3A_26] : memref<25008x72xf32, #tpu.memory_space<vmem_shared>> -> memref<1560x72xf32, #tpu.memory_space<vmem_shared>>
      tpu.wait_dma2 semaphore(%run_scoped3A : memref<!tpu.dma_semaphore, #tpu.memory_space<semaphore_mem>>) src(%dma_wait3A_27 : memref<1560x72xf32, #tpu.memory_space<vmem_shared>>) dst(%dma_wait3A_25 : memref<1560x72xf32, #tpu.memory_space<hbm>>)
      tpu.yield
    }) : () -> ()
    %eq3A_17 = arith.constant 0 : i32
    %eq3A_18 = arith.cmpi eq, %arg1, %eq3A_17 : i32
    %convert_element_type3A_19 = arith.extui %eq3A_18 : i1 to i32
    %cond3A_20 = arith.constant 0 : i32
    %cond3A_21 = arith.cmpi ne, %convert_element_type3A_19, %cond3A_20 : i32
    scf.if %cond3A_21 {
      %add3A_22 = arith.constant 24960 : i32
      %add3A_23 = arith.addi %mul3A_4, %add3A_22 : i32
      "tpu.region"() ({
        %run_scoped3A = tpu.sem_alloc : memref<!tpu.dma_semaphore, #tpu.memory_space<semaphore_mem>>
        %dma_start3A = arith.constant 0 : i32
        %dma_start3A_24 = tpu.memref_slice %arg6[%add3A_23, %dma_start3A] : memref<50000x72xf32, #tpu.memory_space<hbm>> -> memref<40x72xf32, #tpu.memory_space<hbm>>
        %dma_start3A_25 = arith.constant 24960 : i32
        %dma_start3A_26 = arith.constant 0 : i32
        %dma_start3A_27 = tpu.memref_slice %arg7[%dma_start3A_25, %dma_start3A_26] : memref<25008x72xf32, #tpu.memory_space<vmem_shared>> -> memref<40x72xf32, #tpu.memory_space<vmem_shared>>
        tpu.enqueue_dma source(%dma_start3A_27 : memref<40x72xf32, #tpu.memory_space<vmem_shared>>) target(%dma_start3A_24 : memref<40x72xf32, #tpu.memory_space<hbm>>) target_semaphore(%run_scoped3A : memref<!tpu.dma_semaphore, #tpu.memory_space<semaphore_mem>>)
        %dma_wait3A = arith.constant 0 : i32
        %dma_wait3A_28 = tpu.memref_slice %arg6[%add3A_23, %dma_wait3A] : memref<50000x72xf32, #tpu.memory_space<hbm>> -> memref<40x72xf32, #tpu.memory_space<hbm>>
        %dma_wait3A_29 = arith.constant 24960 : i32
        %dma_wait3A_30 = arith.constant 0 : i32
        %dma_wait3A_31 = tpu.memref_slice %arg7[%dma_wait3A_29, %dma_wait3A_30] : memref<25008x72xf32, #tpu.memory_space<vmem_shared>> -> memref<40x72xf32, #tpu.memory_space<vmem_shared>>
        tpu.wait_dma2 semaphore(%run_scoped3A : memref<!tpu.dma_semaphore, #tpu.memory_space<semaphore_mem>>) src(%dma_wait3A_31 : memref<40x72xf32, #tpu.memory_space<vmem_shared>>) dst(%dma_wait3A_28 : memref<40x72xf32, #tpu.memory_space<hbm>>)
        tpu.yield
      }) : () -> ()
    } else {
    }
    return
  }
}

module attributes {stable_mosaic.version = 14 : i64} {
  func.func @_make_y_body(%arg0: memref<10000x72xf32, #tpu.memory_space<vmem>>, %arg1: memref<10000x72xf32, #tpu.memory_space<vmem>>, %arg2: memref<10000x72xf32, #tpu.memory_space<vmem>>) attributes {dimension_semantics = [], scalar_prefetch = 0 : i64, scratch_operands = 0 : i64, tpu.core_type = #tpu.core_type<tc>} {
    %get3A = arith.constant 0 : index
    %get3A_0 = arith.constant 0 : index
    %get3A_1 = vector.load %arg0[%get3A, %get3A_0] : memref<10000x72xf32, #tpu.memory_space<vmem>>, vector<10000x72xf32>
    %get3A_2 = arith.constant 0 : index
    %get3A_3 = arith.constant 0 : index
    %get3A_4 = vector.load %arg1[%get3A_2, %get3A_3] : memref<10000x72xf32, #tpu.memory_space<vmem>>, vector<10000x72xf32>
    %add3A = arith.addf %get3A_1, %get3A_4 : vector<10000x72xf32>
    %slice3A = vector.extract_strided_slice %add3A {offsets = [0, 64], sizes = [10000, 1], strides = [1, 1]} : vector<10000x72xf32> to vector<10000x1xf32>
    %gt3A = arith.constant 0.000000e+00 : f32
    %gt3A_5 = vector.broadcast %gt3A : f32 to vector<10000x1xf32>
    %gt3A_6 = arith.cmpf ogt, %slice3A, %gt3A_5 : vector<10000x1xf32>
    %max3A = arith.constant 9.99999993E-9 : f32
    %max3A_7 = vector.broadcast %max3A : f32 to vector<10000x1xf32>
    %max3A_8 = arith.maximumf %slice3A, %max3A_7 : vector<10000x1xf32>
    %div3A = arith.constant 1.000000e+00 : f32
    %div3A_9 = vector.broadcast %div3A : f32 to vector<10000x1xf32>
    %div3A_10 = arith.divf %div3A_9, %max3A_8 : vector<10000x1xf32>
    %jit3A = arith.constant 0.000000e+00 : f32
    %broadcast_in_dim3A = vector.broadcast %jit3A : f32 to vector<10000x1xf32>
    %select_n3A = arith.select %gt3A_6, %div3A_10, %broadcast_in_dim3A : vector<10000x1xi1>, vector<10000x1xf32>
    %slice3A_11 = vector.extract_strided_slice %add3A {offsets = [0, 0], sizes = [10000, 64], strides = [1, 1]} : vector<10000x72xf32> to vector<10000x64xf32>
    %mul3A = vector.broadcast %select_n3A : vector<10000x1xf32> to vector<10000x64xf32>
    %mul3A_12 = arith.mulf %slice3A_11, %mul3A : vector<10000x64xf32>
    %broadcast_in_dim3A_13 = arith.constant 1.000000e+00 : f32
    %broadcast_in_dim3A_14 = vector.broadcast %broadcast_in_dim3A_13 : f32 to vector<10000x1xf32>
    %broadcast_in_dim3A_15 = arith.constant 0.000000e+00 : f32
    %broadcast_in_dim3A_16 = vector.broadcast %broadcast_in_dim3A_15 : f32 to vector<10000x7xf32>
    %concatenate3A = tpu.concatenate %mul3A_12, %broadcast_in_dim3A_14, %broadcast_in_dim3A_16 in 1 : vector<10000x64xf32>, vector<10000x1xf32>, vector<10000x7xf32> -> vector<10000x72xf32>
    %swap3A = arith.constant 0 : index
    %swap3A_17 = arith.constant 0 : index
    %swap3A_18 = vector.load %arg2[%swap3A, %swap3A_17] : memref<10000x72xf32, #tpu.memory_space<vmem>>, vector<10000x72xf32>
    tpu.vector_store %arg2[%swap3A, %swap3A_17], %concatenate3A {strides = array<i32>} : memref<10000x72xf32, #tpu.memory_space<vmem>>, vector<10000x72xf32>,
    return
  }
}

module attributes {stable_mosaic.version = 14 : i64} {
  func.func @_fused_body(%arg0: i32, %arg1: memref<1000x512xf32, #tpu.memory_space<vmem>>, %arg2: memref<1000x768xf32, #tpu.memory_space<vmem>>, %arg3: memref<1000x64xf32, #tpu.memory_space<vmem>>, %arg4: memref<1000x64xf32, #tpu.memory_space<vmem>>, %arg5: memref<1000x64xf32, #tpu.memory_space<vmem>>, %arg6: memref<1000x72xf32, #tpu.memory_space<vmem>>, %arg7: memref<512x512xf32, #tpu.memory_space<vmem>>, %arg8: memref<512xf32, #tpu.memory_space<vmem>>, %arg9: memref<512x256xf32, #tpu.memory_space<vmem>>, %arg10: memref<256xf32, #tpu.memory_space<vmem>>, %arg11: memref<256x64xf32, #tpu.memory_space<vmem>>, %arg12: memref<64xf32, #tpu.memory_space<vmem>>, %arg13: memref<768x768xf32, #tpu.memory_space<vmem>>, %arg14: memref<768xf32, #tpu.memory_space<vmem>>, %arg15: memref<768x256xf32, #tpu.memory_space<vmem>>, %arg16: memref<256xf32, #tpu.memory_space<vmem>>, %arg17: memref<256x64xf32, #tpu.memory_space<vmem>>, %arg18: memref<64xf32, #tpu.memory_space<vmem>>, %arg19: memref<64x64xf32, #tpu.memory_space<vmem>>, %arg20: memref<64xf32, #tpu.memory_space<vmem>>, %arg21: memref<64x64xf32, #tpu.memory_space<vmem>>, %arg22: memref<64x64xf32, #tpu.memory_space<vmem>>, %arg23: memref<64x64xf32, #tpu.memory_space<vmem>>, %arg24: memref<1000x64xf32, #tpu.memory_space<vmem>>) attributes {dimension_semantics = [#tpu.dimension_semantics<arbitrary>], iteration_bounds = array<i64: 50>, scalar_prefetch = 0 : i64, scratch_operands = 0 : i64, tpu.core_type = #tpu.core_type<tc>, window_params = [{transform_indices = @transform_0, window_bounds = array<i64: 1000, 512>}, {transform_indices = @transform_1, window_bounds = array<i64: 1000, 768>}, {transform_indices = @transform_2, window_bounds = array<i64: 1000, 64>}, {transform_indices = @transform_3, window_bounds = array<i64: 1000, 64>}, {transform_indices = @transform_4, window_bounds = array<i64: 1000, 64>}, {transform_indices = @transform_5, window_bounds = array<i64: 1000, 72>}, {pipeline_mode = #tpu.pipeline_mode<synchronous>, transform_indices = @transform_6, window_bounds = array<i64: 512, 512>}, {pipeline_mode = #tpu.pipeline_mode<synchronous>, transform_indices = @transform_7, window_bounds = array<i64: 512>}, {pipeline_mode = #tpu.pipeline_mode<synchronous>, transform_indices = @transform_8, window_bounds = array<i64: 512, 256>}, {pipeline_mode = #tpu.pipeline_mode<synchronous>, transform_indices = @transform_9, window_bounds = array<i64: 256>}, {pipeline_mode = #tpu.pipeline_mode<synchronous>, transform_indices = @transform_10, window_bounds = array<i64: 256, 64>}, {pipeline_mode = #tpu.pipeline_mode<synchronous>, transform_indices = @transform_11, window_bounds = array<i64: 64>}, {pipeline_mode = #tpu.pipeline_mode<synchronous>, transform_indices = @transform_12, window_bounds = array<i64: 768, 768>}, {pipeline_mode = #tpu.pipeline_mode<synchronous>, transform_indices = @transform_13, window_bounds = array<i64: 768>}, {pipeline_mode = #tpu.pipeline_mode<synchronous>, transform_indices = @transform_14, window_bounds = array<i64: 768, 256>}, {pipeline_mode = #tpu.pipeline_mode<synchronous>, transform_indices = @transform_15, window_bounds = array<i64: 256>}, {pipeline_mode = #tpu.pipeline_mode<synchronous>, transform_indices = @transform_16, window_bounds = array<i64: 256, 64>}, {pipeline_mode = #tpu.pipeline_mode<synchronous>, transform_indices = @transform_17, window_bounds = array<i64: 64>}, {pipeline_mode = #tpu.pipeline_mode<synchronous>, transform_indices = @transform_18, window_bounds = array<i64: 64, 64>}, {pipeline_mode = #tpu.pipeline_mode<synchronous>, transform_indices = @transform_19, window_bounds = array<i64: 64>}, {pipeline_mode = #tpu.pipeline_mode<synchronous>, transform_indices = @transform_20, window_bounds = array<i64: 64, 64>}, {pipeline_mode = #tpu.pipeline_mode<synchronous>, transform_indices = @transform_21, window_bounds = array<i64: 64, 64>}, {pipeline_mode = #tpu.pipeline_mode<synchronous>, transform_indices = @transform_22, window_bounds = array<i64: 64, 64>}, {transform_indices = @transform_23, window_bounds = array<i64: 1000, 64>}]} {
    %get3A = arith.constant 0 : index
    %get3A_0 = arith.constant 0 : index
    %get3A_1 = vector.load %arg1[%get3A, %get3A_0] : memref<1000x512xf32, #tpu.memory_space<vmem>>, vector<1000x512xf32>
    %mul3A = arith.mulf %get3A_1, %get3A_1 : vector<1000x512xf32>
    %reduce_sum3A = arith.constant dense<0.000000e+00> : vector<1000xf32>
    %reduce_sum3A_2 = vector.multi_reduction <add>, %mul3A, %reduce_sum3A [1] : vector<1000x512xf32> to vector<1000xf32>
    %broadcast_in_dim3A = vector.shape_cast %reduce_sum3A_2 : vector<1000xf32> to vector<1000x1xf32>
    %sqrt3A = math.sqrt %broadcast_in_dim3A : vector<1000x1xf32>
    %max3A = arith.constant 9.99999996E-13 : f32
    %max3A_3 = vector.broadcast %max3A : f32 to vector<1000x1xf32>
    %max3A_4 = arith.maximumf %sqrt3A, %max3A_3 : vector<1000x1xf32>
    %div3A = vector.broadcast %max3A_4 : vector<1000x1xf32> to vector<1000x512xf32>
    %div3A_5 = arith.divf %get3A_1, %div3A : vector<1000x512xf32>
    %get3A_6 = arith.constant 0 : index
    %get3A_7 = arith.constant 0 : index
    %get3A_8 = vector.load %arg7[%get3A_6, %get3A_7] : memref<512x512xf32, #tpu.memory_space<vmem>>, vector<512x512xf32>
    %dot_general3A = arith.constant dense<0.000000e+00> : vector<1000x512xf32>
    %dot_general3A_9 = tpu.matmul %div3A_5, %get3A_8, %dot_general3A {dimension_numbers = #tpu.dot_dimension_numbers<[1], [0], [0], [1], [0, 0, 1, 1], [], []>, transpose_lhs_hint = false} : vector<1000x512xf32>, vector<512x512xf32>, vector<1000x512xf32> -> vector<1000x512xf32>
    %get3A_10 = arith.constant 0 : index
    %get3A_11 = vector.load %arg8[%get3A_10] : memref<512xf32, #tpu.memory_space<vmem>>, vector<512xf32>
    %broadcast_in_dim3A_12 = vector.shape_cast %get3A_11 : vector<512xf32> to vector<1x512xf32>
    %add3A = vector.broadcast %broadcast_in_dim3A_12 : vector<1x512xf32> to vector<1000x512xf32>
    %add3A_13 = arith.addf %dot_general3A_9, %add3A : vector<1000x512xf32>
    %max3A_14 = arith.constant 0.000000e+00 : f32
    %max3A_15 = vector.broadcast %max3A_14 : f32 to vector<1000x512xf32>
    %max3A_16 = arith.maximumf %add3A_13, %max3A_15 : vector<1000x512xf32>
    %get3A_17 = arith.constant 0 : index
    %get3A_18 = arith.constant 0 : index
    %get3A_19 = vector.load %arg9[%get3A_17, %get3A_18] : memref<512x256xf32, #tpu.memory_space<vmem>>, vector<512x256xf32>
    %dot_general3A_20 = arith.constant dense<0.000000e+00> : vector<1000x256xf32>
    %dot_general3A_21 = tpu.matmul %max3A_16, %get3A_19, %dot_general3A_20 {dimension_numbers = #tpu.dot_dimension_numbers<[1], [0], [0], [1], [0, 0, 1, 1], [], []>, transpose_lhs_hint = false} : vector<1000x512xf32>, vector<512x256xf32>, vector<1000x256xf32> -> vector<1000x256xf32>
    %get3A_22 = arith.constant 0 : index
    %get3A_23 = vector.load %arg10[%get3A_22] : memref<256xf32, #tpu.memory_space<vmem>>, vector<256xf32>
    %broadcast_in_dim3A_24 = vector.shape_cast %get3A_23 : vector<256xf32> to vector<1x256xf32>
    %add3A_25 = vector.broadcast %broadcast_in_dim3A_24 : vector<1x256xf32> to vector<1000x256xf32>
    %add3A_26 = arith.addf %dot_general3A_21, %add3A_25 : vector<1000x256xf32>
    %max3A_27 = arith.constant 0.000000e+00 : f32
    %max3A_28 = vector.broadcast %max3A_27 : f32 to vector<1000x256xf32>
    %max3A_29 = arith.maximumf %add3A_26, %max3A_28 : vector<1000x256xf32>
    %get3A_30 = arith.constant 0 : index
    %get3A_31 = arith.constant 0 : index
    %get3A_32 = vector.load %arg11[%get3A_30, %get3A_31] : memref<256x64xf32, #tpu.memory_space<vmem>>, vector<256x64xf32>
    %dot_general3A_33 = arith.constant dense<0.000000e+00> : vector<1000x64xf32>
    %dot_general3A_34 = tpu.matmul %max3A_29, %get3A_32, %dot_general3A_33 {dimension_numbers = #tpu.dot_dimension_numbers<[1], [0], [0], [1], [0, 0, 1, 1], [], []>, transpose_lhs_hint = false} : vector<1000x256xf32>, vector<256x64xf32>, vector<1000x64xf32> -> vector<1000x64xf32>
    %get3A_35 = arith.constant 0 : index
    %get3A_36 = vector.load %arg12[%get3A_35] : memref<64xf32, #tpu.memory_space<vmem>>, vector<64xf32>
    %broadcast_in_dim3A_37 = vector.shape_cast %get3A_36 : vector<64xf32> to vector<1x64xf32>
    %add3A_38 = vector.broadcast %broadcast_in_dim3A_37 : vector<1x64xf32> to vector<1000x64xf32>
    %add3A_39 = arith.addf %dot_general3A_34, %add3A_38 : vector<1000x64xf32>
    %get3A_40 = arith.constant 0 : index
    %get3A_41 = arith.constant 0 : index
    %get3A_42 = vector.load %arg2[%get3A_40, %get3A_41] : memref<1000x768xf32, #tpu.memory_space<vmem>>, vector<1000x768xf32>
    %mul3A_43 = arith.mulf %get3A_42, %get3A_42 : vector<1000x768xf32>
    %reduce_sum3A_44 = arith.constant dense<0.000000e+00> : vector<1000xf32>
    %reduce_sum3A_45 = vector.multi_reduction <add>, %mul3A_43, %reduce_sum3A_44 [1] : vector<1000x768xf32> to vector<1000xf32>
    %broadcast_in_dim3A_46 = vector.shape_cast %reduce_sum3A_45 : vector<1000xf32> to vector<1000x1xf32>
    %sqrt3A_47 = math.sqrt %broadcast_in_dim3A_46 : vector<1000x1xf32>
    %max3A_48 = arith.constant 9.99999996E-13 : f32
    %max3A_49 = vector.broadcast %max3A_48 : f32 to vector<1000x1xf32>
    %max3A_50 = arith.maximumf %sqrt3A_47, %max3A_49 : vector<1000x1xf32>
    %div3A_51 = vector.broadcast %max3A_50 : vector<1000x1xf32> to vector<1000x768xf32>
    %div3A_52 = arith.divf %get3A_42, %div3A_51 : vector<1000x768xf32>
    %get3A_53 = arith.constant 0 : index
    %get3A_54 = arith.constant 0 : index
    %get3A_55 = vector.load %arg13[%get3A_53, %get3A_54] : memref<768x768xf32, #tpu.memory_space<vmem>>, vector<768x768xf32>
    %dot_general3A_56 = arith.constant dense<0.000000e+00> : vector<1000x768xf32>
    %dot_general3A_57 = tpu.matmul %div3A_52, %get3A_55, %dot_general3A_56 {dimension_numbers = #tpu.dot_dimension_numbers<[1], [0], [0], [1], [0, 0, 1, 1], [], []>, transpose_lhs_hint = false} : vector<1000x768xf32>, vector<768x768xf32>, vector<1000x768xf32> -> vector<1000x768xf32>
    %get3A_58 = arith.constant 0 : index
    %get3A_59 = vector.load %arg14[%get3A_58] : memref<768xf32, #tpu.memory_space<vmem>>, vector<768xf32>
    %broadcast_in_dim3A_60 = vector.shape_cast %get3A_59 : vector<768xf32> to vector<1x768xf32>
    %add3A_61 = vector.broadcast %broadcast_in_dim3A_60 : vector<1x768xf32> to vector<1000x768xf32>
    %add3A_62 = arith.addf %dot_general3A_57, %add3A_61 : vector<1000x768xf32>
    %max3A_63 = arith.constant 0.000000e+00 : f32
    %max3A_64 = vector.broadcast %max3A_63 : f32 to vector<1000x768xf32>
    %max3A_65 = arith.maximumf %add3A_62, %max3A_64 : vector<1000x768xf32>
    %get3A_66 = arith.constant 0 : index
    %get3A_67 = arith.constant 0 : index
    %get3A_68 = vector.load %arg15[%get3A_66, %get3A_67] : memref<768x256xf32, #tpu.memory_space<vmem>>, vector<768x256xf32>
    %dot_general3A_69 = arith.constant dense<0.000000e+00> : vector<1000x256xf32>
    %dot_general3A_70 = tpu.matmul %max3A_65, %get3A_68, %dot_general3A_69 {dimension_numbers = #tpu.dot_dimension_numbers<[1], [0], [0], [1], [0, 0, 1, 1], [], []>, transpose_lhs_hint = false} : vector<1000x768xf32>, vector<768x256xf32>, vector<1000x256xf32> -> vector<1000x256xf32>
    %get3A_71 = arith.constant 0 : index
    %get3A_72 = vector.load %arg16[%get3A_71] : memref<256xf32, #tpu.memory_space<vmem>>, vector<256xf32>
    %broadcast_in_dim3A_73 = vector.shape_cast %get3A_72 : vector<256xf32> to vector<1x256xf32>
    %add3A_74 = vector.broadcast %broadcast_in_dim3A_73 : vector<1x256xf32> to vector<1000x256xf32>
    %add3A_75 = arith.addf %dot_general3A_70, %add3A_74 : vector<1000x256xf32>
    %max3A_76 = arith.constant 0.000000e+00 : f32
    %max3A_77 = vector.broadcast %max3A_76 : f32 to vector<1000x256xf32>
    %max3A_78 = arith.maximumf %add3A_75, %max3A_77 : vector<1000x256xf32>
    %get3A_79 = arith.constant 0 : index
    %get3A_80 = arith.constant 0 : index
    %get3A_81 = vector.load %arg17[%get3A_79, %get3A_80] : memref<256x64xf32, #tpu.memory_space<vmem>>, vector<256x64xf32>
    %dot_general3A_82 = arith.constant dense<0.000000e+00> : vector<1000x64xf32>
    %dot_general3A_83 = tpu.matmul %max3A_78, %get3A_81, %dot_general3A_82 {dimension_numbers = #tpu.dot_dimension_numbers<[1], [0], [0], [1], [0, 0, 1, 1], [], []>, transpose_lhs_hint = false} : vector<1000x256xf32>, vector<256x64xf32>, vector<1000x64xf32> -> vector<1000x64xf32>
    %get3A_84 = arith.constant 0 : index
    %get3A_85 = vector.load %arg18[%get3A_84] : memref<64xf32, #tpu.memory_space<vmem>>, vector<64xf32>
    %broadcast_in_dim3A_86 = vector.shape_cast %get3A_85 : vector<64xf32> to vector<1x64xf32>
    %add3A_87 = vector.broadcast %broadcast_in_dim3A_86 : vector<1x64xf32> to vector<1000x64xf32>
    %add3A_88 = arith.addf %dot_general3A_83, %add3A_87 : vector<1000x64xf32>
    %add3A_89 = arith.addf %add3A_39, %add3A_88 : vector<1000x64xf32>
    %get3A_90 = arith.constant 0 : index
    %get3A_91 = arith.constant 0 : index
    %get3A_92 = vector.load %arg3[%get3A_90, %get3A_91] : memref<1000x64xf32, #tpu.memory_space<vmem>>, vector<1000x64xf32>
    %get3A_93 = arith.constant 0 : index
    %get3A_94 = arith.constant 0 : index
    %get3A_95 = vector.load %arg19[%get3A_93, %get3A_94] : memref<64x64xf32, #tpu.memory_space<vmem>>, vector<64x64xf32>
    %dot_general3A_96 = arith.constant dense<0.000000e+00> : vector<1000x64xf32>
    %dot_general3A_97 = tpu.matmul %get3A_92, %get3A_95, %dot_general3A_96 {dimension_numbers = #tpu.dot_dimension_numbers<[1], [0], [0], [1], [0, 0, 1, 1], [], []>, transpose_lhs_hint = false} : vector<1000x64xf32>, vector<64x64xf32>, vector<1000x64xf32> -> vector<1000x64xf32>
    %get3A_98 = arith.constant 0 : index
    %get3A_99 = vector.load %arg20[%get3A_98] : memref<64xf32, #tpu.memory_space<vmem>>, vector<64xf32>
    %broadcast_in_dim3A_100 = vector.shape_cast %get3A_99 : vector<64xf32> to vector<1x64xf32>
    %add3A_101 = vector.broadcast %broadcast_in_dim3A_100 : vector<1x64xf32> to vector<1000x64xf32>
    %add3A_102 = arith.addf %dot_general3A_97, %add3A_101 : vector<1000x64xf32>
    %get3A_103 = arith.constant 0 : index
    %get3A_104 = arith.constant 0 : index
    %get3A_105 = vector.load %arg6[%get3A_103, %get3A_104] : memref<1000x72xf32, #tpu.memory_space<vmem>>, vector<1000x72xf32>
    %slice3A = vector.extract_strided_slice %get3A_105 {offsets = [0, 0], sizes = [1000, 64], strides = [1, 1]} : vector<1000x72xf32> to vector<1000x64xf32>
    %slice3A_106 = vector.extract_strided_slice %get3A_105 {offsets = [0, 64], sizes = [1000, 1], strides = [1, 1]} : vector<1000x72xf32> to vector<1000x1xf32>
    %gt3A = arith.constant 0.000000e+00 : f32
    %gt3A_107 = vector.broadcast %gt3A : f32 to vector<1000x1xf32>
    %gt3A_108 = arith.cmpf ogt, %slice3A_106, %gt3A_107 : vector<1000x1xf32>
    %max3A_109 = arith.constant 9.99999993E-9 : f32
    %max3A_110 = vector.broadcast %max3A_109 : f32 to vector<1000x1xf32>
    %max3A_111 = arith.maximumf %slice3A_106, %max3A_110 : vector<1000x1xf32>
    %div3A_112 = arith.constant 1.000000e+00 : f32
    %div3A_113 = vector.broadcast %div3A_112 : f32 to vector<1000x1xf32>
    %div3A_114 = arith.divf %div3A_113, %max3A_111 : vector<1000x1xf32>
    %jit3A = arith.constant 0.000000e+00 : f32
    %broadcast_in_dim3A_115 = vector.broadcast %jit3A : f32 to vector<1000x1xf32>
    %select_n3A = arith.select %gt3A_108, %div3A_114, %broadcast_in_dim3A_115 : vector<1000x1xi1>, vector<1000x1xf32>
    %mul3A_116 = vector.broadcast %select_n3A : vector<1000x1xf32> to vector<1000x64xf32>
    %mul3A_117 = arith.mulf %slice3A, %mul3A_116 : vector<1000x64xf32>
    %get3A_118 = arith.constant 0 : index
    %get3A_119 = arith.constant 0 : index
    %get3A_120 = vector.load %arg5[%get3A_118, %get3A_119] : memref<1000x64xf32, #tpu.memory_space<vmem>>, vector<1000x64xf32>
    %add3A_121 = arith.addf %get3A_120, %mul3A_117 : vector<1000x64xf32>
    %mul3A_122 = arith.constant 5.000000e-01 : f32
    %mul3A_123 = vector.broadcast %mul3A_122 : f32 to vector<1000x64xf32>
    %mul3A_124 = arith.mulf %mul3A_123, %add3A_121 : vector<1000x64xf32>
    %mul3A_125 = arith.mulf %mul3A_124, %mul3A_124 : vector<1000x64xf32>
    %reduce_sum3A_126 = arith.constant dense<0.000000e+00> : vector<1000xf32>
    %reduce_sum3A_127 = vector.multi_reduction <add>, %mul3A_125, %reduce_sum3A_126 [1] : vector<1000x64xf32> to vector<1000xf32>
    %broadcast_in_dim3A_128 = vector.shape_cast %reduce_sum3A_127 : vector<1000xf32> to vector<1000x1xf32>
    %sqrt3A_129 = math.sqrt %broadcast_in_dim3A_128 : vector<1000x1xf32>
    %max3A_130 = arith.constant 9.99999996E-13 : f32
    %max3A_131 = vector.broadcast %max3A_130 : f32 to vector<1000x1xf32>
    %max3A_132 = arith.maximumf %sqrt3A_129, %max3A_131 : vector<1000x1xf32>
    %div3A_133 = vector.broadcast %max3A_132 : vector<1000x1xf32> to vector<1000x64xf32>
    %div3A_134 = arith.divf %mul3A_124, %div3A_133 : vector<1000x64xf32>
    %get3A_135 = arith.constant 0 : index
    %get3A_136 = arith.constant 0 : index
    %get3A_137 = vector.load %arg4[%get3A_135, %get3A_136] : memref<1000x64xf32, #tpu.memory_space<vmem>>, vector<1000x64xf32>
    %reduce_sum3A_138 = arith.constant dense<0.000000e+00> : vector<1000xf32>
    %reduce_sum3A_139 = vector.multi_reduction <add>, %add3A_89, %reduce_sum3A_138 [1] : vector<1000x64xf32> to vector<1000xf32>
    %broadcast_in_dim3A_140 = vector.shape_cast %reduce_sum3A_139 : vector<1000xf32> to vector<1000x1xf32>
    %div3A_141 = arith.constant 6.400000e+01 : f32
    %div3A_142 = vector.broadcast %div3A_141 : f32 to vector<1000x1xf32>
    %div3A_143 = arith.divf %broadcast_in_dim3A_140, %div3A_142 : vector<1000x1xf32>
    %sub3A = vector.broadcast %div3A_143 : vector<1000x1xf32> to vector<1000x64xf32>
    %sub3A_144 = arith.subf %add3A_89, %sub3A : vector<1000x64xf32>
    %mul3A_145 = arith.mulf %sub3A_144, %sub3A_144 : vector<1000x64xf32>
    %reduce_sum3A_146 = arith.constant dense<0.000000e+00> : vector<1000xf32>
    %reduce_sum3A_147 = vector.multi_reduction <add>, %mul3A_145, %reduce_sum3A_146 [1] : vector<1000x64xf32> to vector<1000xf32>
    %broadcast_in_dim3A_148 = vector.shape_cast %reduce_sum3A_147 : vector<1000xf32> to vector<1000x1xf32>
    %div3A_149 = arith.constant 6.400000e+01 : f32
    %div3A_150 = vector.broadcast %div3A_149 : f32 to vector<1000x1xf32>
    %div3A_151 = arith.divf %broadcast_in_dim3A_148, %div3A_150 : vector<1000x1xf32>
    %add3A_152 = arith.constant 9.99999974E-6 : f32
    %add3A_153 = vector.broadcast %add3A_152 : f32 to vector<1000x1xf32>
    %add3A_154 = arith.addf %div3A_151, %add3A_153 : vector<1000x1xf32>
    %rsqrt3A = math.rsqrt %add3A_154 : vector<1000x1xf32>
    %mul3A_155 = vector.broadcast %rsqrt3A : vector<1000x1xf32> to vector<1000x64xf32>
    %mul3A_156 = arith.mulf %sub3A_144, %mul3A_155 : vector<1000x64xf32>
    %reduce_sum3A_157 = arith.constant dense<0.000000e+00> : vector<1000xf32>
    %reduce_sum3A_158 = vector.multi_reduction <add>, %add3A_102, %reduce_sum3A_157 [1] : vector<1000x64xf32> to vector<1000xf32>
    %broadcast_in_dim3A_159 = vector.shape_cast %reduce_sum3A_158 : vector<1000xf32> to vector<1000x1xf32>
    %div3A_160 = arith.constant 6.400000e+01 : f32
    %div3A_161 = vector.broadcast %div3A_160 : f32 to vector<1000x1xf32>
    %div3A_162 = arith.divf %broadcast_in_dim3A_159, %div3A_161 : vector<1000x1xf32>
    %sub3A_163 = vector.broadcast %div3A_162 : vector<1000x1xf32> to vector<1000x64xf32>
    %sub3A_164 = arith.subf %add3A_102, %sub3A_163 : vector<1000x64xf32>
    %mul3A_165 = arith.mulf %sub3A_164, %sub3A_164 : vector<1000x64xf32>
    %reduce_sum3A_166 = arith.constant dense<0.000000e+00> : vector<1000xf32>
    %reduce_sum3A_167 = vector.multi_reduction <add>, %mul3A_165, %reduce_sum3A_166 [1] : vector<1000x64xf32> to vector<1000xf32>
    %broadcast_in_dim3A_168 = vector.shape_cast %reduce_sum3A_167 : vector<1000xf32> to vector<1000x1xf32>
    %div3A_169 = arith.constant 6.400000e+01 : f32
    %div3A_170 = vector.broadcast %div3A_169 : f32 to vector<1000x1xf32>
    %div3A_171 = arith.divf %broadcast_in_dim3A_168, %div3A_170 : vector<1000x1xf32>
    %add3A_172 = arith.constant 9.99999974E-6 : f32
    %add3A_173 = vector.broadcast %add3A_172 : f32 to vector<1000x1xf32>
    %add3A_174 = arith.addf %div3A_171, %add3A_173 : vector<1000x1xf32>
    %rsqrt3A_175 = math.rsqrt %add3A_174 : vector<1000x1xf32>
    %mul3A_176 = vector.broadcast %rsqrt3A_175 : vector<1000x1xf32> to vector<1000x64xf32>
    %mul3A_177 = arith.mulf %sub3A_164, %mul3A_176 : vector<1000x64xf32>
    %reduce_sum3A_178 = arith.constant dense<0.000000e+00> : vector<1000xf32>
    %reduce_sum3A_179 = vector.multi_reduction <add>, %get3A_137, %reduce_sum3A_178 [1] : vector<1000x64xf32> to vector<1000xf32>
    %broadcast_in_dim3A_180 = vector.shape_cast %reduce_sum3A_179 : vector<1000xf32> to vector<1000x1xf32>
    %div3A_181 = arith.constant 6.400000e+01 : f32
    %div3A_182 = vector.broadcast %div3A_181 : f32 to vector<1000x1xf32>
    %div3A_183 = arith.divf %broadcast_in_dim3A_180, %div3A_182 : vector<1000x1xf32>
    %sub3A_184 = vector.broadcast %div3A_183 : vector<1000x1xf32> to vector<1000x64xf32>
    %sub3A_185 = arith.subf %get3A_137, %sub3A_184 : vector<1000x64xf32>
    %mul3A_186 = arith.mulf %sub3A_185, %sub3A_185 : vector<1000x64xf32>
    %reduce_sum3A_187 = arith.constant dense<0.000000e+00> : vector<1000xf32>
    %reduce_sum3A_188 = vector.multi_reduction <add>, %mul3A_186, %reduce_sum3A_187 [1] : vector<1000x64xf32> to vector<1000xf32>
    %broadcast_in_dim3A_189 = vector.shape_cast %reduce_sum3A_188 : vector<1000xf32> to vector<1000x1xf32>
    %div3A_190 = arith.constant 6.400000e+01 : f32
    %div3A_191 = vector.broadcast %div3A_190 : f32 to vector<1000x1xf32>
    %div3A_192 = arith.divf %broadcast_in_dim3A_189, %div3A_191 : vector<1000x1xf32>
    %add3A_193 = arith.constant 9.99999974E-6 : f32
    %add3A_194 = vector.broadcast %add3A_193 : f32 to vector<1000x1xf32>
    %add3A_195 = arith.addf %div3A_192, %add3A_194 : vector<1000x1xf32>
    %rsqrt3A_196 = math.rsqrt %add3A_195 : vector<1000x1xf32>
    %mul3A_197 = vector.broadcast %rsqrt3A_196 : vector<1000x1xf32> to vector<1000x64xf32>
    %mul3A_198 = arith.mulf %sub3A_185, %mul3A_197 : vector<1000x64xf32>
    %reduce_sum3A_199 = arith.constant dense<0.000000e+00> : vector<1000xf32>
    %reduce_sum3A_200 = vector.multi_reduction <add>, %div3A_134, %reduce_sum3A_199 [1] : vector<1000x64xf32> to vector<1000xf32>
    %broadcast_in_dim3A_201 = vector.shape_cast %reduce_sum3A_200 : vector<1000xf32> to vector<1000x1xf32>
    %div3A_202 = arith.constant 6.400000e+01 : f32
    %div3A_203 = vector.broadcast %div3A_202 : f32 to vector<1000x1xf32>
    %div3A_204 = arith.divf %broadcast_in_dim3A_201, %div3A_203 : vector<1000x1xf32>
    %sub3A_205 = vector.broadcast %div3A_204 : vector<1000x1xf32> to vector<1000x64xf32>
    %sub3A_206 = arith.subf %div3A_134, %sub3A_205 : vector<1000x64xf32>
    %mul3A_207 = arith.mulf %sub3A_206, %sub3A_206 : vector<1000x64xf32>
    %reduce_sum3A_208 = arith.constant dense<0.000000e+00> : vector<1000xf32>
    %reduce_sum3A_209 = vector.multi_reduction <add>, %mul3A_207, %reduce_sum3A_208 [1] : vector<1000x64xf32> to vector<1000xf32>
    %broadcast_in_dim3A_210 = vector.shape_cast %reduce_sum3A_209 : vector<1000xf32> to vector<1000x1xf32>
    %div3A_211 = arith.constant 6.400000e+01 : f32
    %div3A_212 = vector.broadcast %div3A_211 : f32 to vector<1000x1xf32>
    %div3A_213 = arith.divf %broadcast_in_dim3A_210, %div3A_212 : vector<1000x1xf32>
    %add3A_214 = arith.constant 9.99999974E-6 : f32
    %add3A_215 = vector.broadcast %add3A_214 : f32 to vector<1000x1xf32>
    %add3A_216 = arith.addf %div3A_213, %add3A_215 : vector<1000x1xf32>
    %rsqrt3A_217 = math.rsqrt %add3A_216 : vector<1000x1xf32>
    %mul3A_218 = vector.broadcast %rsqrt3A_217 : vector<1000x1xf32> to vector<1000x64xf32>
    %mul3A_219 = arith.mulf %sub3A_206, %mul3A_218 : vector<1000x64xf32>
    %concatenate3A = tpu.concatenate %mul3A_156, %mul3A_177, %mul3A_198, %mul3A_219 in 0 : vector<1000x64xf32>, vector<1000x64xf32>, vector<1000x64xf32>, vector<1000x64xf32> -> vector<4000x64xf32>
    %get3A_220 = arith.constant 0 : index
    %get3A_221 = arith.constant 0 : index
    %get3A_222 = vector.load %arg21[%get3A_220, %get3A_221] : memref<64x64xf32, #tpu.memory_space<vmem>>, vector<64x64xf32>
    %dot_general3A_223 = arith.constant dense<0.000000e+00> : vector<4000x64xf32>
    %dot_general3A_224 = tpu.matmul %concatenate3A, %get3A_222, %dot_general3A_223 {dimension_numbers = #tpu.dot_dimension_numbers<[1], [0], [0], [1], [0, 0, 1, 1], [], []>, transpose_lhs_hint = false} : vector<4000x64xf32>, vector<64x64xf32>, vector<4000x64xf32> -> vector<4000x64xf32>
    %get3A_225 = arith.constant 0 : index
    %get3A_226 = arith.constant 0 : index
    %get3A_227 = vector.load %arg22[%get3A_225, %get3A_226] : memref<64x64xf32, #tpu.memory_space<vmem>>, vector<64x64xf32>
    %dot_general3A_228 = arith.constant dense<0.000000e+00> : vector<4000x64xf32>
    %dot_general3A_229 = tpu.matmul %concatenate3A, %get3A_227, %dot_general3A_228 {dimension_numbers = #tpu.dot_dimension_numbers<[1], [0], [0], [1], [0, 0, 1, 1], [], []>, transpose_lhs_hint = false} : vector<4000x64xf32>, vector<64x64xf32>, vector<4000x64xf32> -> vector<4000x64xf32>
    %get3A_230 = arith.constant 0 : index
    %get3A_231 = arith.constant 0 : index
    %get3A_232 = vector.load %arg23[%get3A_230, %get3A_231] : memref<64x64xf32, #tpu.memory_space<vmem>>, vector<64x64xf32>
    %dot_general3A_233 = arith.constant dense<0.000000e+00> : vector<4000x64xf32>
    %dot_general3A_234 = tpu.matmul %concatenate3A, %get3A_232, %dot_general3A_233 {dimension_numbers = #tpu.dot_dimension_numbers<[1], [0], [0], [1], [0, 0, 1, 1], [], []>, transpose_lhs_hint = false} : vector<4000x64xf32>, vector<64x64xf32>, vector<4000x64xf32> -> vector<4000x64xf32>
    %slice3A_235 = vector.extract_strided_slice %dot_general3A_224 {offsets = [0, 0], sizes = [1000, 64], strides = [1, 1]} : vector<4000x64xf32> to vector<1000x64xf32>
    %slice3A_236 = vector.extract_strided_slice %dot_general3A_224 {offsets = [1000, 0], sizes = [1000, 64], strides = [1, 1]} : vector<4000x64xf32> to vector<1000x64xf32>
    %slice3A_237 = vector.extract_strided_slice %dot_general3A_224 {offsets = [2000, 0], sizes = [1000, 64], strides = [1, 1]} : vector<4000x64xf32> to vector<1000x64xf32>
    %slice3A_238 = vector.extract_strided_slice %dot_general3A_224 {offsets = [3000, 0], sizes = [1000, 64], strides = [1, 1]} : vector<4000x64xf32> to vector<1000x64xf32>
    %slice3A_239 = vector.extract_strided_slice %dot_general3A_229 {offsets = [0, 0], sizes = [1000, 64], strides = [1, 1]} : vector<4000x64xf32> to vector<1000x64xf32>
    %slice3A_240 = vector.extract_strided_slice %dot_general3A_229 {offsets = [1000, 0], sizes = [1000, 64], strides = [1, 1]} : vector<4000x64xf32> to vector<1000x64xf32>
    %slice3A_241 = vector.extract_strided_slice %dot_general3A_229 {offsets = [2000, 0], sizes = [1000, 64], strides = [1, 1]} : vector<4000x64xf32> to vector<1000x64xf32>
    %slice3A_242 = vector.extract_strided_slice %dot_general3A_229 {offsets = [3000, 0], sizes = [1000, 64], strides = [1, 1]} : vector<4000x64xf32> to vector<1000x64xf32>
    %slice3A_243 = vector.extract_strided_slice %dot_general3A_234 {offsets = [0, 0], sizes = [1000, 64], strides = [1, 1]} : vector<4000x64xf32> to vector<1000x64xf32>
    %slice3A_244 = vector.extract_strided_slice %dot_general3A_234 {offsets = [1000, 0], sizes = [1000, 64], strides = [1, 1]} : vector<4000x64xf32> to vector<1000x64xf32>
    %slice3A_245 = vector.extract_strided_slice %dot_general3A_234 {offsets = [2000, 0], sizes = [1000, 64], strides = [1, 1]} : vector<4000x64xf32> to vector<1000x64xf32>
    %slice3A_246 = vector.extract_strided_slice %dot_general3A_234 {offsets = [3000, 0], sizes = [1000, 64], strides = [1, 1]} : vector<4000x64xf32> to vector<1000x64xf32>
    %broadcast_in_dim3A_247 = arith.constant 0.000000e+00 : f32
    %broadcast_in_dim3A_248 = vector.broadcast %broadcast_in_dim3A_247 : f32 to vector<1000x64xf32>
    %mul3A_249 = arith.mulf %slice3A_235, %slice3A_239 : vector<1000x64xf32>
    %reduce_sum3A_250 = arith.constant dense<0.000000e+00> : vector<1000xf32>
    %reduce_sum3A_251 = vector.multi_reduction <add>, %mul3A_249, %reduce_sum3A_250 [1] : vector<1000x64xf32> to vector<1000xf32>
    %broadcast_in_dim3A_252 = vector.shape_cast %reduce_sum3A_251 : vector<1000xf32> to vector<1000x1xf32>
    %mul3A_253 = arith.constant 1.250000e-01 : f32
    %mul3A_254 = vector.broadcast %mul3A_253 : f32 to vector<1000x1xf32>
    %mul3A_255 = arith.mulf %broadcast_in_dim3A_252, %mul3A_254 : vector<1000x1xf32>
    %mul3A_256 = arith.mulf %slice3A_235, %slice3A_240 : vector<1000x64xf32>
    %reduce_sum3A_257 = arith.constant dense<0.000000e+00> : vector<1000xf32>
    %reduce_sum3A_258 = vector.multi_reduction <add>, %mul3A_256, %reduce_sum3A_257 [1] : vector<1000x64xf32> to vector<1000xf32>
    %broadcast_in_dim3A_259 = vector.shape_cast %reduce_sum3A_258 : vector<1000xf32> to vector<1000x1xf32>
    %mul3A_260 = arith.constant 1.250000e-01 : f32
    %mul3A_261 = vector.broadcast %mul3A_260 : f32 to vector<1000x1xf32>
    %mul3A_262 = arith.mulf %broadcast_in_dim3A_259, %mul3A_261 : vector<1000x1xf32>
    %mul3A_263 = arith.mulf %slice3A_235, %slice3A_241 : vector<1000x64xf32>
    %reduce_sum3A_264 = arith.constant dense<0.000000e+00> : vector<1000xf32>
    %reduce_sum3A_265 = vector.multi_reduction <add>, %mul3A_263, %reduce_sum3A_264 [1] : vector<1000x64xf32> to vector<1000xf32>
    %broadcast_in_dim3A_266 = vector.shape_cast %reduce_sum3A_265 : vector<1000xf32> to vector<1000x1xf32>
    %mul3A_267 = arith.constant 1.250000e-01 : f32
    %mul3A_268 = vector.broadcast %mul3A_267 : f32 to vector<1000x1xf32>
    %mul3A_269 = arith.mulf %broadcast_in_dim3A_266, %mul3A_268 : vector<1000x1xf32>
    %mul3A_270 = arith.mulf %slice3A_235, %slice3A_242 : vector<1000x64xf32>
    %reduce_sum3A_271 = arith.constant dense<0.000000e+00> : vector<1000xf32>
    %reduce_sum3A_272 = vector.multi_reduction <add>, %mul3A_270, %reduce_sum3A_271 [1] : vector<1000x64xf32> to vector<1000xf32>
    %broadcast_in_dim3A_273 = vector.shape_cast %reduce_sum3A_272 : vector<1000xf32> to vector<1000x1xf32>
    %mul3A_274 = arith.constant 1.250000e-01 : f32
    %mul3A_275 = vector.broadcast %mul3A_274 : f32 to vector<1000x1xf32>
    %mul3A_276 = arith.mulf %broadcast_in_dim3A_273, %mul3A_275 : vector<1000x1xf32>
    %max3A_277 = arith.maximumf %mul3A_255, %mul3A_262 : vector<1000x1xf32>
    %max3A_278 = arith.maximumf %mul3A_269, %mul3A_276 : vector<1000x1xf32>
    %max3A_279 = arith.maximumf %max3A_277, %max3A_278 : vector<1000x1xf32>
    %sub3A_280 = arith.subf %mul3A_255, %max3A_279 : vector<1000x1xf32>
    %exp3A = math.exp %sub3A_280 : vector<1000x1xf32>
    %sub3A_281 = arith.subf %mul3A_262, %max3A_279 : vector<1000x1xf32>
    %exp3A_282 = math.exp %sub3A_281 : vector<1000x1xf32>
    %sub3A_283 = arith.subf %mul3A_269, %max3A_279 : vector<1000x1xf32>
    %exp3A_284 = math.exp %sub3A_283 : vector<1000x1xf32>
    %sub3A_285 = arith.subf %mul3A_276, %max3A_279 : vector<1000x1xf32>
    %exp3A_286 = math.exp %sub3A_285 : vector<1000x1xf32>
    %add3A_287 = arith.addf %exp3A, %exp3A_282 : vector<1000x1xf32>
    %add3A_288 = arith.addf %add3A_287, %exp3A_284 : vector<1000x1xf32>
    %add3A_289 = arith.addf %add3A_288, %exp3A_286 : vector<1000x1xf32>
    %mul3A_290 = vector.broadcast %exp3A : vector<1000x1xf32> to vector<1000x64xf32>
    %mul3A_291 = arith.mulf %mul3A_290, %slice3A_243 : vector<1000x64xf32>
    %mul3A_292 = vector.broadcast %exp3A_282 : vector<1000x1xf32> to vector<1000x64xf32>
    %mul3A_293 = arith.mulf %mul3A_292, %slice3A_244 : vector<1000x64xf32>
    %add3A_294 = arith.addf %mul3A_291, %mul3A_293 : vector<1000x64xf32>
    %mul3A_295 = vector.broadcast %exp3A_284 : vector<1000x1xf32> to vector<1000x64xf32>
    %mul3A_296 = arith.mulf %mul3A_295, %slice3A_245 : vector<1000x64xf32>
    %add3A_297 = arith.addf %add3A_294, %mul3A_296 : vector<1000x64xf32>
    %mul3A_298 = vector.broadcast %exp3A_286 : vector<1000x1xf32> to vector<1000x64xf32>
    %mul3A_299 = arith.mulf %mul3A_298, %slice3A_246 : vector<1000x64xf32>
    %add3A_300 = arith.addf %add3A_297, %mul3A_299 : vector<1000x64xf32>
    %div3A_301 = vector.broadcast %add3A_289 : vector<1000x1xf32> to vector<1000x64xf32>
    %div3A_302 = arith.divf %add3A_300, %div3A_301 : vector<1000x64xf32>
    %add3A_303 = arith.addf %broadcast_in_dim3A_248, %div3A_302 : vector<1000x64xf32>
    %mul3A_304 = arith.mulf %slice3A_236, %slice3A_239 : vector<1000x64xf32>
    %reduce_sum3A_305 = arith.constant dense<0.000000e+00> : vector<1000xf32>
    %reduce_sum3A_306 = vector.multi_reduction <add>, %mul3A_304, %reduce_sum3A_305 [1] : vector<1000x64xf32> to vector<1000xf32>
    %broadcast_in_dim3A_307 = vector.shape_cast %reduce_sum3A_306 : vector<1000xf32> to vector<1000x1xf32>
    %mul3A_308 = arith.constant 1.250000e-01 : f32
    %mul3A_309 = vector.broadcast %mul3A_308 : f32 to vector<1000x1xf32>
    %mul3A_310 = arith.mulf %broadcast_in_dim3A_307, %mul3A_309 : vector<1000x1xf32>
    %mul3A_311 = arith.mulf %slice3A_236, %slice3A_240 : vector<1000x64xf32>
    %reduce_sum3A_312 = arith.constant dense<0.000000e+00> : vector<1000xf32>
    %reduce_sum3A_313 = vector.multi_reduction <add>, %mul3A_311, %reduce_sum3A_312 [1] : vector<1000x64xf32> to vector<1000xf32>
    %broadcast_in_dim3A_314 = vector.shape_cast %reduce_sum3A_313 : vector<1000xf32> to vector<1000x1xf32>
    %mul3A_315 = arith.constant 1.250000e-01 : f32
    %mul3A_316 = vector.broadcast %mul3A_315 : f32 to vector<1000x1xf32>
    %mul3A_317 = arith.mulf %broadcast_in_dim3A_314, %mul3A_316 : vector<1000x1xf32>
    %mul3A_318 = arith.mulf %slice3A_236, %slice3A_241 : vector<1000x64xf32>
    %reduce_sum3A_319 = arith.constant dense<0.000000e+00> : vector<1000xf32>
    %reduce_sum3A_320 = vector.multi_reduction <add>, %mul3A_318, %reduce_sum3A_319 [1] : vector<1000x64xf32> to vector<1000xf32>
    %broadcast_in_dim3A_321 = vector.shape_cast %reduce_sum3A_320 : vector<1000xf32> to vector<1000x1xf32>
    %mul3A_322 = arith.constant 1.250000e-01 : f32
    %mul3A_323 = vector.broadcast %mul3A_322 : f32 to vector<1000x1xf32>
    %mul3A_324 = arith.mulf %broadcast_in_dim3A_321, %mul3A_323 : vector<1000x1xf32>
    %mul3A_325 = arith.mulf %slice3A_236, %slice3A_242 : vector<1000x64xf32>
    %reduce_sum3A_326 = arith.constant dense<0.000000e+00> : vector<1000xf32>
    %reduce_sum3A_327 = vector.multi_reduction <add>, %mul3A_325, %reduce_sum3A_326 [1] : vector<1000x64xf32> to vector<1000xf32>
    %broadcast_in_dim3A_328 = vector.shape_cast %reduce_sum3A_327 : vector<1000xf32> to vector<1000x1xf32>
    %mul3A_329 = arith.constant 1.250000e-01 : f32
    %mul3A_330 = vector.broadcast %mul3A_329 : f32 to vector<1000x1xf32>
    %mul3A_331 = arith.mulf %broadcast_in_dim3A_328, %mul3A_330 : vector<1000x1xf32>
    %max3A_332 = arith.maximumf %mul3A_310, %mul3A_317 : vector<1000x1xf32>
    %max3A_333 = arith.maximumf %mul3A_324, %mul3A_331 : vector<1000x1xf32>
    %max3A_334 = arith.maximumf %max3A_332, %max3A_333 : vector<1000x1xf32>
    %sub3A_335 = arith.subf %mul3A_310, %max3A_334 : vector<1000x1xf32>
    %exp3A_336 = math.exp %sub3A_335 : vector<1000x1xf32>
    %sub3A_337 = arith.subf %mul3A_317, %max3A_334 : vector<1000x1xf32>
    %exp3A_338 = math.exp %sub3A_337 : vector<1000x1xf32>
    %sub3A_339 = arith.subf %mul3A_324, %max3A_334 : vector<1000x1xf32>
    %exp3A_340 = math.exp %sub3A_339 : vector<1000x1xf32>
    %sub3A_341 = arith.subf %mul3A_331, %max3A_334 : vector<1000x1xf32>
    %exp3A_342 = math.exp %sub3A_341 : vector<1000x1xf32>
    %add3A_343 = arith.addf %exp3A_336, %exp3A_338 : vector<1000x1xf32>
    %add3A_344 = arith.addf %add3A_343, %exp3A_340 : vector<1000x1xf32>
    %add3A_345 = arith.addf %add3A_344, %exp3A_342 : vector<1000x1xf32>
    %mul3A_346 = vector.broadcast %exp3A_336 : vector<1000x1xf32> to vector<1000x64xf32>
    %mul3A_347 = arith.mulf %mul3A_346, %slice3A_243 : vector<1000x64xf32>
    %mul3A_348 = vector.broadcast %exp3A_338 : vector<1000x1xf32> to vector<1000x64xf32>
    %mul3A_349 = arith.mulf %mul3A_348, %slice3A_244 : vector<1000x64xf32>
    %add3A_350 = arith.addf %mul3A_347, %mul3A_349 : vector<1000x64xf32>
    %mul3A_351 = vector.broadcast %exp3A_340 : vector<1000x1xf32> to vector<1000x64xf32>
    %mul3A_352 = arith.mulf %mul3A_351, %slice3A_245 : vector<1000x64xf32>
    %add3A_353 = arith.addf %add3A_350, %mul3A_352 : vector<1000x64xf32>
    %mul3A_354 = vector.broadcast %exp3A_342 : vector<1000x1xf32> to vector<1000x64xf32>
    %mul3A_355 = arith.mulf %mul3A_354, %slice3A_246 : vector<1000x64xf32>
    %add3A_356 = arith.addf %add3A_353, %mul3A_355 : vector<1000x64xf32>
    %div3A_357 = vector.broadcast %add3A_345 : vector<1000x1xf32> to vector<1000x64xf32>
    %div3A_358 = arith.divf %add3A_356, %div3A_357 : vector<1000x64xf32>
    %add3A_359 = arith.addf %add3A_303, %div3A_358 : vector<1000x64xf32>
    %mul3A_360 = arith.mulf %slice3A_237, %slice3A_239 : vector<1000x64xf32>
    %reduce_sum3A_361 = arith.constant dense<0.000000e+00> : vector<1000xf32>
    %reduce_sum3A_362 = vector.multi_reduction <add>, %mul3A_360, %reduce_sum3A_361 [1] : vector<1000x64xf32> to vector<1000xf32>
    %broadcast_in_dim3A_363 = vector.shape_cast %reduce_sum3A_362 : vector<1000xf32> to vector<1000x1xf32>
    %mul3A_364 = arith.constant 1.250000e-01 : f32
    %mul3A_365 = vector.broadcast %mul3A_364 : f32 to vector<1000x1xf32>
    %mul3A_366 = arith.mulf %broadcast_in_dim3A_363, %mul3A_365 : vector<1000x1xf32>
    %mul3A_367 = arith.mulf %slice3A_237, %slice3A_240 : vector<1000x64xf32>
    %reduce_sum3A_368 = arith.constant dense<0.000000e+00> : vector<1000xf32>
    %reduce_sum3A_369 = vector.multi_reduction <add>, %mul3A_367, %reduce_sum3A_368 [1] : vector<1000x64xf32> to vector<1000xf32>
    %broadcast_in_dim3A_370 = vector.shape_cast %reduce_sum3A_369 : vector<1000xf32> to vector<1000x1xf32>
    %mul3A_371 = arith.constant 1.250000e-01 : f32
    %mul3A_372 = vector.broadcast %mul3A_371 : f32 to vector<1000x1xf32>
    %mul3A_373 = arith.mulf %broadcast_in_dim3A_370, %mul3A_372 : vector<1000x1xf32>
    %mul3A_374 = arith.mulf %slice3A_237, %slice3A_241 : vector<1000x64xf32>
    %reduce_sum3A_375 = arith.constant dense<0.000000e+00> : vector<1000xf32>
    %reduce_sum3A_376 = vector.multi_reduction <add>, %mul3A_374, %reduce_sum3A_375 [1] : vector<1000x64xf32> to vector<1000xf32>
    %broadcast_in_dim3A_377 = vector.shape_cast %reduce_sum3A_376 : vector<1000xf32> to vector<1000x1xf32>
    %mul3A_378 = arith.constant 1.250000e-01 : f32
    %mul3A_379 = vector.broadcast %mul3A_378 : f32 to vector<1000x1xf32>
    %mul3A_380 = arith.mulf %broadcast_in_dim3A_377, %mul3A_379 : vector<1000x1xf32>
    %mul3A_381 = arith.mulf %slice3A_237, %slice3A_242 : vector<1000x64xf32>
    %reduce_sum3A_382 = arith.constant dense<0.000000e+00> : vector<1000xf32>
    %reduce_sum3A_383 = vector.multi_reduction <add>, %mul3A_381, %reduce_sum3A_382 [1] : vector<1000x64xf32> to vector<1000xf32>
    %broadcast_in_dim3A_384 = vector.shape_cast %reduce_sum3A_383 : vector<1000xf32> to vector<1000x1xf32>
    %mul3A_385 = arith.constant 1.250000e-01 : f32
    %mul3A_386 = vector.broadcast %mul3A_385 : f32 to vector<1000x1xf32>
    %mul3A_387 = arith.mulf %broadcast_in_dim3A_384, %mul3A_386 : vector<1000x1xf32>
    %max3A_388 = arith.maximumf %mul3A_366, %mul3A_373 : vector<1000x1xf32>
    %max3A_389 = arith.maximumf %mul3A_380, %mul3A_387 : vector<1000x1xf32>
    %max3A_390 = arith.maximumf %max3A_388, %max3A_389 : vector<1000x1xf32>
    %sub3A_391 = arith.subf %mul3A_366, %max3A_390 : vector<1000x1xf32>
    %exp3A_392 = math.exp %sub3A_391 : vector<1000x1xf32>
    %sub3A_393 = arith.subf %mul3A_373, %max3A_390 : vector<1000x1xf32>
    %exp3A_394 = math.exp %sub3A_393 : vector<1000x1xf32>
    %sub3A_395 = arith.subf %mul3A_380, %max3A_390 : vector<1000x1xf32>
    %exp3A_396 = math.exp %sub3A_395 : vector<1000x1xf32>
    %sub3A_397 = arith.subf %mul3A_387, %max3A_390 : vector<1000x1xf32>
    %exp3A_398 = math.exp %sub3A_397 : vector<1000x1xf32>
    %add3A_399 = arith.addf %exp3A_392, %exp3A_394 : vector<1000x1xf32>
    %add3A_400 = arith.addf %add3A_399, %exp3A_396 : vector<1000x1xf32>
    %add3A_401 = arith.addf %add3A_400, %exp3A_398 : vector<1000x1xf32>
    %mul3A_402 = vector.broadcast %exp3A_392 : vector<1000x1xf32> to vector<1000x64xf32>
    %mul3A_403 = arith.mulf %mul3A_402, %slice3A_243 : vector<1000x64xf32>
    %mul3A_404 = vector.broadcast %exp3A_394 : vector<1000x1xf32> to vector<1000x64xf32>
    %mul3A_405 = arith.mulf %mul3A_404, %slice3A_244 : vector<1000x64xf32>
    %add3A_406 = arith.addf %mul3A_403, %mul3A_405 : vector<1000x64xf32>
    %mul3A_407 = vector.broadcast %exp3A_396 : vector<1000x1xf32> to vector<1000x64xf32>
    %mul3A_408 = arith.mulf %mul3A_407, %slice3A_245 : vector<1000x64xf32>
    %add3A_409 = arith.addf %add3A_406, %mul3A_408 : vector<1000x64xf32>
    %mul3A_410 = vector.broadcast %exp3A_398 : vector<1000x1xf32> to vector<1000x64xf32>
    %mul3A_411 = arith.mulf %mul3A_410, %slice3A_246 : vector<1000x64xf32>
    %add3A_412 = arith.addf %add3A_409, %mul3A_411 : vector<1000x64xf32>
    %div3A_413 = vector.broadcast %add3A_401 : vector<1000x1xf32> to vector<1000x64xf32>
    %div3A_414 = arith.divf %add3A_412, %div3A_413 : vector<1000x64xf32>
    %add3A_415 = arith.addf %add3A_359, %div3A_414 : vector<1000x64xf32>
    %mul3A_416 = arith.mulf %slice3A_238, %slice3A_239 : vector<1000x64xf32>
    %reduce_sum3A_417 = arith.constant dense<0.000000e+00> : vector<1000xf32>
    %reduce_sum3A_418 = vector.multi_reduction <add>, %mul3A_416, %reduce_sum3A_417 [1] : vector<1000x64xf32> to vector<1000xf32>
    %broadcast_in_dim3A_419 = vector.shape_cast %reduce_sum3A_418 : vector<1000xf32> to vector<1000x1xf32>
    %mul3A_420 = arith.constant 1.250000e-01 : f32
    %mul3A_421 = vector.broadcast %mul3A_420 : f32 to vector<1000x1xf32>
    %mul3A_422 = arith.mulf %broadcast_in_dim3A_419, %mul3A_421 : vector<1000x1xf32>
    %mul3A_423 = arith.mulf %slice3A_238, %slice3A_240 : vector<1000x64xf32>
    %reduce_sum3A_424 = arith.constant dense<0.000000e+00> : vector<1000xf32>
    %reduce_sum3A_425 = vector.multi_reduction <add>, %mul3A_423, %reduce_sum3A_424 [1] : vector<1000x64xf32> to vector<1000xf32>
    %broadcast_in_dim3A_426 = vector.shape_cast %reduce_sum3A_425 : vector<1000xf32> to vector<1000x1xf32>
    %mul3A_427 = arith.constant 1.250000e-01 : f32
    %mul3A_428 = vector.broadcast %mul3A_427 : f32 to vector<1000x1xf32>
    %mul3A_429 = arith.mulf %broadcast_in_dim3A_426, %mul3A_428 : vector<1000x1xf32>
    %mul3A_430 = arith.mulf %slice3A_238, %slice3A_241 : vector<1000x64xf32>
    %reduce_sum3A_431 = arith.constant dense<0.000000e+00> : vector<1000xf32>
    %reduce_sum3A_432 = vector.multi_reduction <add>, %mul3A_430, %reduce_sum3A_431 [1] : vector<1000x64xf32> to vector<1000xf32>
    %broadcast_in_dim3A_433 = vector.shape_cast %reduce_sum3A_432 : vector<1000xf32> to vector<1000x1xf32>
    %mul3A_434 = arith.constant 1.250000e-01 : f32
    %mul3A_435 = vector.broadcast %mul3A_434 : f32 to vector<1000x1xf32>
    %mul3A_436 = arith.mulf %broadcast_in_dim3A_433, %mul3A_435 : vector<1000x1xf32>
    %mul3A_437 = arith.mulf %slice3A_238, %slice3A_242 : vector<1000x64xf32>
    %reduce_sum3A_438 = arith.constant dense<0.000000e+00> : vector<1000xf32>
    %reduce_sum3A_439 = vector.multi_reduction <add>, %mul3A_437, %reduce_sum3A_438 [1] : vector<1000x64xf32> to vector<1000xf32>
    %broadcast_in_dim3A_440 = vector.shape_cast %reduce_sum3A_439 : vector<1000xf32> to vector<1000x1xf32>
    %mul3A_441 = arith.constant 1.250000e-01 : f32
    %mul3A_442 = vector.broadcast %mul3A_441 : f32 to vector<1000x1xf32>
    %mul3A_443 = arith.mulf %broadcast_in_dim3A_440, %mul3A_442 : vector<1000x1xf32>
    %max3A_444 = arith.maximumf %mul3A_422, %mul3A_429 : vector<1000x1xf32>
    %max3A_445 = arith.maximumf %mul3A_436, %mul3A_443 : vector<1000x1xf32>
    %max3A_446 = arith.maximumf %max3A_444, %max3A_445 : vector<1000x1xf32>
    %sub3A_447 = arith.subf %mul3A_422, %max3A_446 : vector<1000x1xf32>
    %exp3A_448 = math.exp %sub3A_447 : vector<1000x1xf32>
    %sub3A_449 = arith.subf %mul3A_429, %max3A_446 : vector<1000x1xf32>
    %exp3A_450 = math.exp %sub3A_449 : vector<1000x1xf32>
    %sub3A_451 = arith.subf %mul3A_436, %max3A_446 : vector<1000x1xf32>
    %exp3A_452 = math.exp %sub3A_451 : vector<1000x1xf32>
    %sub3A_453 = arith.subf %mul3A_443, %max3A_446 : vector<1000x1xf32>
    %exp3A_454 = math.exp %sub3A_453 : vector<1000x1xf32>
    %add3A_455 = arith.addf %exp3A_448, %exp3A_450 : vector<1000x1xf32>
    %add3A_456 = arith.addf %add3A_455, %exp3A_452 : vector<1000x1xf32>
    %add3A_457 = arith.addf %add3A_456, %exp3A_454 : vector<1000x1xf32>
    %mul3A_458 = vector.broadcast %exp3A_448 : vector<1000x1xf32> to vector<1000x64xf32>
    %mul3A_459 = arith.mulf %mul3A_458, %slice3A_243 : vector<1000x64xf32>
    %mul3A_460 = vector.broadcast %exp3A_450 : vector<1000x1xf32> to vector<1000x64xf32>
    %mul3A_461 = arith.mulf %mul3A_460, %slice3A_244 : vector<1000x64xf32>
    %add3A_462 = arith.addf %mul3A_459, %mul3A_461 : vector<1000x64xf32>
    %mul3A_463 = vector.broadcast %exp3A_452 : vector<1000x1xf32> to vector<1000x64xf32>
    %mul3A_464 = arith.mulf %mul3A_463, %slice3A_245 : vector<1000x64xf32>
    %add3A_465 = arith.addf %add3A_462, %mul3A_464 : vector<1000x64xf32>
    %mul3A_466 = vector.broadcast %exp3A_454 : vector<1000x1xf32> to vector<1000x64xf32>
    %mul3A_467 = arith.mulf %mul3A_466, %slice3A_246 : vector<1000x64xf32>
    %add3A_468 = arith.addf %add3A_465, %mul3A_467 : vector<1000x64xf32>
    %div3A_469 = vector.broadcast %add3A_457 : vector<1000x1xf32> to vector<1000x64xf32>
    %div3A_470 = arith.divf %add3A_468, %div3A_469 : vector<1000x64xf32>
    %add3A_471 = arith.addf %add3A_415, %div3A_470 : vector<1000x64xf32>
    %mul3A_472 = arith.constant 2.500000e-01 : f32
    %mul3A_473 = vector.broadcast %mul3A_472 : f32 to vector<1000x64xf32>
    %mul3A_474 = arith.mulf %mul3A_473, %add3A_471 : vector<1000x64xf32>
    %swap3A = arith.constant 0 : index
    %swap3A_475 = arith.constant 0 : index
    %swap3A_476 = vector.load %arg24[%swap3A, %swap3A_475] : memref<1000x64xf32, #tpu.memory_space<vmem>>, vector<1000x64xf32>
    tpu.vector_store %arg24[%swap3A, %swap3A_475], %mul3A_474 {strides = array<i32>} : memref<1000x64xf32, #tpu.memory_space<vmem>>, vector<1000x64xf32>,
    return
  }
  func.func @transform_0(%arg0: i32) -> (i32, i32) {
    %c0_i32 = arith.constant 0 : i32
    %c0_i32_0 = arith.constant 0 : i32
    return %arg0, %c0_i32 : i32, i32
  }
  func.func @transform_1(%arg0: i32) -> (i32, i32) {
    %c0_i32 = arith.constant 0 : i32
    %c0_i32_0 = arith.constant 0 : i32
    return %arg0, %c0_i32 : i32, i32
  }
  func.func @transform_2(%arg0: i32) -> (i32, i32) {
    %c0_i32 = arith.constant 0 : i32
    %c0_i32_0 = arith.constant 0 : i32
    return %arg0, %c0_i32 : i32, i32
  }
  func.func @transform_3(%arg0: i32) -> (i32, i32) {
    %c0_i32 = arith.constant 0 : i32
    %c0_i32_0 = arith.constant 0 : i32
    return %arg0, %c0_i32 : i32, i32
  }
  func.func @transform_4(%arg0: i32) -> (i32, i32) {
    %c0_i32 = arith.constant 0 : i32
    %c0_i32_0 = arith.constant 0 : i32
    return %arg0, %c0_i32 : i32, i32
  }
  func.func @transform_5(%arg0: i32) -> (i32, i32) {
    %c0_i32 = arith.constant 0 : i32
    %c0_i32_0 = arith.constant 0 : i32
    return %arg0, %c0_i32 : i32, i32
  }
  func.func @transform_6(%arg0: i32) -> (i32, i32) {
    %c0_i32 = arith.constant 0 : i32
    %c0_i32_0 = arith.constant 0 : i32
    %c0_i32_1 = arith.constant 0 : i32
    return %c0_i32, %c0_i32_0 : i32, i32
  }
  func.func @transform_7(%arg0: i32) -> i32 {
    %c0_i32 = arith.constant 0 : i32
    %c0_i32_0 = arith.constant 0 : i32
    return %c0_i32 : i32
  }
  func.func @transform_8(%arg0: i32) -> (i32, i32) {
    %c0_i32 = arith.constant 0 : i32
    %c0_i32_0 = arith.constant 0 : i32
    %c0_i32_1 = arith.constant 0 : i32
    return %c0_i32, %c0_i32_0 : i32, i32
  }
  func.func @transform_9(%arg0: i32) -> i32 {
    %c0_i32 = arith.constant 0 : i32
    %c0_i32_0 = arith.constant 0 : i32
    return %c0_i32 : i32
  }
  func.func @transform_10(%arg0: i32) -> (i32, i32) {
    %c0_i32 = arith.constant 0 : i32
    %c0_i32_0 = arith.constant 0 : i32
    %c0_i32_1 = arith.constant 0 : i32
    return %c0_i32, %c0_i32_0 : i32, i32
  }
  func.func @transform_11(%arg0: i32) -> i32 {
    %c0_i32 = arith.constant 0 : i32
    %c0_i32_0 = arith.constant 0 : i32
    return %c0_i32 : i32
  }
  func.func @transform_12(%arg0: i32) -> (i32, i32) {
    %c0_i32 = arith.constant 0 : i32
    %c0_i32_0 = arith.constant 0 : i32
    %c0_i32_1 = arith.constant 0 : i32
    return %c0_i32, %c0_i32_0 : i32, i32
  }
  func.func @transform_13(%arg0: i32) -> i32 {
    %c0_i32 = arith.constant 0 : i32
    %c0_i32_0 = arith.constant 0 : i32
    return %c0_i32 : i32
  }
  func.func @transform_14(%arg0: i32) -> (i32, i32) {
    %c0_i32 = arith.constant 0 : i32
    %c0_i32_0 = arith.constant 0 : i32
    %c0_i32_1 = arith.constant 0 : i32
    return %c0_i32, %c0_i32_0 : i32, i32
  }
  func.func @transform_15(%arg0: i32) -> i32 {
    %c0_i32 = arith.constant 0 : i32
    %c0_i32_0 = arith.constant 0 : i32
    return %c0_i32 : i32
  }
  func.func @transform_16(%arg0: i32) -> (i32, i32) {
    %c0_i32 = arith.constant 0 : i32
    %c0_i32_0 = arith.constant 0 : i32
    %c0_i32_1 = arith.constant 0 : i32
    return %c0_i32, %c0_i32_0 : i32, i32
  }
  func.func @transform_17(%arg0: i32) -> i32 {
    %c0_i32 = arith.constant 0 : i32
    %c0_i32_0 = arith.constant 0 : i32
    return %c0_i32 : i32
  }
  func.func @transform_18(%arg0: i32) -> (i32, i32) {
    %c0_i32 = arith.constant 0 : i32
    %c0_i32_0 = arith.constant 0 : i32
    %c0_i32_1 = arith.constant 0 : i32
    return %c0_i32, %c0_i32_0 : i32, i32
  }
  func.func @transform_19(%arg0: i32) -> i32 {
    %c0_i32 = arith.constant 0 : i32
    %c0_i32_0 = arith.constant 0 : i32
    return %c0_i32 : i32
  }
  func.func @transform_20(%arg0: i32) -> (i32, i32) {
    %c0_i32 = arith.constant 0 : i32
    %c0_i32_0 = arith.constant 0 : i32
    %c0_i32_1 = arith.constant 0 : i32
    return %c0_i32, %c0_i32_0 : i32, i32
  }
  func.func @transform_21(%arg0: i32) -> (i32, i32) {
    %c0_i32 = arith.constant 0 : i32
    %c0_i32_0 = arith.constant 0 : i32
    %c0_i32_1 = arith.constant 0 : i32
    return %c0_i32, %c0_i32_0 : i32, i32
  }
  func.func @transform_22(%arg0: i32) -> (i32, i32) {
    %c0_i32 = arith.constant 0 : i32
    %c0_i32_0 = arith.constant 0 : i32
    %c0_i32_1 = arith.constant 0 : i32
    return %c0_i32, %c0_i32_0 : i32, i32
  }
  func.func @transform_23(%arg0: i32) -> (i32, i32) {
    %c0_i32 = arith.constant 0 : i32
    %c0_i32_0 = arith.constant 0 : i32
    return %arg0, %c0_i32 : i32, i32
  }
}

module attributes {stable_mosaic.version = 14 : i64} {
  func.func @_final_body(%arg0: memref<10000x64xf32, #tpu.memory_space<vmem>>, %arg1: memref<10000x64xf32, #tpu.memory_space<vmem>>, %arg2: memref<10000x1xf32, #tpu.memory_space<vmem>>, %arg3: memref<10000x1xf32, #tpu.memory_space<vmem>>, %arg4: memref<10000x64xf32, #tpu.memory_space<vmem>>) attributes {dimension_semantics = [], scalar_prefetch = 0 : i64, scratch_operands = 0 : i64, tpu.core_type = #tpu.core_type<tc>} {
    %get3A = arith.constant 0 : index
    %get3A_0 = arith.constant 0 : index
    %get3A_1 = vector.load %arg2[%get3A, %get3A_0] : memref<10000x1xf32, #tpu.memory_space<vmem>>, vector<10000x1xf32>
    %get3A_2 = arith.constant 0 : index
    %get3A_3 = arith.constant 0 : index
    %get3A_4 = vector.load %arg3[%get3A_2, %get3A_3] : memref<10000x1xf32, #tpu.memory_space<vmem>>, vector<10000x1xf32>
    %add3A = arith.addf %get3A_1, %get3A_4 : vector<10000x1xf32>
    %get3A_5 = arith.constant 0 : index
    %get3A_6 = arith.constant 0 : index
    %get3A_7 = vector.load %arg0[%get3A_5, %get3A_6] : memref<10000x64xf32, #tpu.memory_space<vmem>>, vector<10000x64xf32>
    %get3A_8 = arith.constant 0 : index
    %get3A_9 = arith.constant 0 : index
    %get3A_10 = vector.load %arg1[%get3A_8, %get3A_9] : memref<10000x64xf32, #tpu.memory_space<vmem>>, vector<10000x64xf32>
    %add3A_11 = arith.addf %get3A_7, %get3A_10 : vector<10000x64xf32>
    %gt3A = arith.constant 0.000000e+00 : f32
    %gt3A_12 = vector.broadcast %gt3A : f32 to vector<10000x1xf32>
    %gt3A_13 = arith.cmpf ogt, %add3A, %gt3A_12 : vector<10000x1xf32>
    %max3A = arith.constant 9.99999993E-9 : f32
    %max3A_14 = vector.broadcast %max3A : f32 to vector<10000x1xf32>
    %max3A_15 = arith.maximumf %add3A, %max3A_14 : vector<10000x1xf32>
    %div3A = arith.constant 1.000000e+00 : f32
    %div3A_16 = vector.broadcast %div3A : f32 to vector<10000x1xf32>
    %div3A_17 = arith.divf %div3A_16, %max3A_15 : vector<10000x1xf32>
    %jit3A = arith.constant 0.000000e+00 : f32
    %broadcast_in_dim3A = vector.broadcast %jit3A : f32 to vector<10000x1xf32>
    %select_n3A = arith.select %gt3A_13, %div3A_17, %broadcast_in_dim3A : vector<10000x1xi1>, vector<10000x1xf32>
    %mul3A = vector.broadcast %select_n3A : vector<10000x1xf32> to vector<10000x64xf32>
    %mul3A_18 = arith.mulf %add3A_11, %mul3A : vector<10000x64xf32>
    %swap3A = arith.constant 0 : index
    %swap3A_19 = arith.constant 0 : index
    %swap3A_20 = vector.load %arg4[%swap3A, %swap3A_19] : memref<10000x64xf32, #tpu.memory_space<vmem>>, vector<10000x64xf32>
    tpu.vector_store %arg4[%swap3A, %swap3A_19], %mul3A_18 {strides = array<i32>} : memref<10000x64xf32, #tpu.memory_space<vmem>>, vector<10000x64xf32>,
    return
  }
}

</mosaic_0001>

<sc_bundles>
// kernel: kernel.11.cloned.1.call-start
scs
__scs_entry_jumppad:
0x0: {  	(pc) =	sbr.rel $0x88, $3  }
0x1: {  	(tag) =	ssettag $0x0;
	lr =	simm.s32 $0x1  }
0x2: {  	[smem:$0x3F88] =	sst lr;
	_ =	strace $0xD0000000  }
0x3: {  	_ = 	snop  }
0x4: {  	_ = 	snop  }
0x5: {  	_ = 	snop  }
0x6: {  	_ = 	snop  }
0x7: {  	_ = 	snop  }
__scs_overlays_trampoline_lowered:
0x8: {  	[smem:$0x3F97] =	sst s0  }
0x9: {  	[smem:$0x3F98] =	sst s1  }
0xa: {  	[smem:$0x3F99] =	sst s2  }
0xb: {  	[smem:$0x3F9A] =	sst s3  }
0xc: {  	[smem:$0x3F9B] =	sst s4  }
0xd: {  	[smem:$0x3F9C] =	sst s5  }
0xe: {  	[smem:$0x3F9D] =	sst s6  }
0xf: {  	[smem:$0x3F9E] =	sst s7  }
0x10: {  	[smem:$0x3F9F] =	sst s8  }
0x11: {  	[smem:$0x3FA0] =	sst s9;
	s0 =	simm.s32 @!p0 $0x0  }
0x12: {  	s1 =	sld [smem:$0x3F86];
	s0 =	simm.s32 @p0 $0x1  }
0x13: {  	[smem:$0x3FA1] =	sst s0;
	s0 =	simm.s32 @!p1 $0x0  }
0x14: {  	s2 =	sld [smem:$0x3F85];
	s0 =	simm.s32 @p1 $0x1  }
0x15: {  	[smem:$0x3FA2] =	sst s0;
	s0 =	simm.s32 @!p2 $0x0  }
0x16: {  	s3 =	sld [smem:$0x3FDB];
	s0 =	simm.s32 @p2 $0x1  }
0x17: {  	s4 =	simm.s32 $0x1BF5;
	[smem:$0x3FA4] =	sst s0  }
0x18: {  	s0 =	sld [smem:$0x3F87];
	_ =	swait.ge [sflag:s4], $0x0  }
0x19: {  	s7 =	sld [smem:$0x3F88]  }
0x1a: {  	s8 =	sadd.s32 $0xFFFFE003, lr  }
0x1b: {  	s9 =	sadd.s32 $0xFFFFFEF7, lr;
	s5 =	simm.s32 $0xFFFFFFFF;
	p2 =	slt.u32 s8, $0xFFFFF086  }
0x1c: {  	p1 =	slt.u32 s9, $0xF7A;
	s5 =	simm.s32 @!p2 $0x0  }
0x1d: {  	s5 =	simm.s32 @p1 $0x1;
	p0 =	seq.s32 s7, s2  }
0x1e: {  	s7 =	smul.u32 @!p0 $0xF7A, s2;
	p2 =	seq.s32 @!p0 s5, $0x0  }
0x1f: {  	s9 =	smul.u32 $0xF7A, s1;
	s8 =	simm.s32 @!p0 $0x1BF5;
	p2 =	por !p2, p0  }
0x20: {  	[sflag:s8] =	ssyncset.s32 @!p0 $0xFFFFF086;
	s6 =	sadd.s32 @!p0 s3, s7;
	s7 =	simm.s32 @!p0 $0x108  }
0x21: {  	s3 =	sadd.s32 s3, s9;
	s6 =	sadd.s32 @!p0 $0x88, s6;
	s7 =	simm.s32 @p2 $0x1082  }
0x22: {  	[simem:s7], [sflag:s8] =	dma.local @!p0 [hbm:s6], $0xF7A  }
0x23: {  	s9 =	sor.u32 $0xD0000000, s2;
	s6 =	simm.s32 $0x108;
	_ =	swait.ge @!p0 [sflag:s8], $0x0  }
0x24: {  	s3 =	sadd.s32 $0x88, s3;
	s6 =	simm.s32 @!p1 $0x1082;
	[sflag:s4] =	ssyncset.s32 $0xFFFFF086  }
0x25: {  	[simem:s6], [sflag:s4] =	dma.local [hbm:s3], $0xF7A  }
0x26: {  	[smem:$0x3F88] =	sst s1;
	(tag) =	ssettag s2;
	_ =	strace s9  }
0x27: {  	s1 =	sld [smem:$0x3F98]  }
0x28: {  	s2 =	sld [smem:$0x3F99]  }
0x29: {  	s4 =	sld [smem:$0x3F9B]  }
0x2a: {  	p0 =	seq.s32 s5, $0x0;
	s5 =	sld [smem:$0x3F9C]  }
0x2b: {  	s6 =	sld [smem:$0x3F9D]  }
0x2c: {  	s7 =	sld [smem:$0x3F9E]  }
0x2d: {  	s3 =	simm.s32 $0x108;
	s8 =	sld [smem:$0x3F9F]  }
0x2e: {  	s3 =	simm.s32 @!p0 $0x1082;
	s9 =	sld [smem:$0x3FA0]  }
0x2f: {  	lr =	sadd.s32 s0, s3;
	s0 =	sld [smem:$0x3F97]  }
0x30: {  	s3 =	sld [smem:$0x3F9A]  }
0x31: {  	[smem:$0x3FA3] =	sst s10  }
0x32: {  	s10 =	sld [smem:$0x3FA1];
	_ =	sdelay $0x3  }
0x33: {  	p0 =	seq.s32 s10, $0x1;
	s10 =	sld [smem:$0x3FA3];
	_ =	sdelay $0x3  }
0x34: {  	[smem:$0x3FA3] =	sst s10  }
0x35: {  	s10 =	sld [smem:$0x3FA2];
	_ =	sdelay $0x3  }
0x36: {  	p1 =	seq.s32 s10, $0x1;
	s10 =	sld [smem:$0x3FA3];
	_ =	sdelay $0x3  }
0x37: {  	[smem:$0x3FA3] =	sst s10  }
0x38: {  	s10 =	sld [smem:$0x3FA4]  }
0x39: {  	_ = 	snop;
	(pc) =	sbr.ind lr, $3  }
0x3a: {  	_ = 	snop  }
0x3b: {  	_ = 	snop  }
0x3c: {  	p2 =	seq.s32 s10, $0x1;
	s10 =	sld [smem:$0x3FA3]  }
0x3d: {  	_ =	shalt  }
0x3e: {  	_ =	shalt  }
0x3f: {  	_ =	shalt  }
0x40: {  	_ =	shalt  }
0x41: {  	_ =	shalt  }
0x42: {  	_ =	shalt  }
0x43: {  	_ =	shalt  }
0x44: {  	_ =	shalt  }
0x45: {  	_ =	shalt  }
0x46: {  	_ =	shalt  }
0x47: {  	_ =	shalt  }
0x48: {  	_ =	shalt  }
0x49: {  	_ =	shalt  }
0x4a: {  	_ =	shalt  }
0x4b: {  	_ =	shalt  }
0x4c: {  	_ =	shalt  }
0x4d: {  	_ =	shalt  }
0x4e: {  	_ =	shalt  }
0x4f: {  	_ =	shalt  }
0x50: {  	_ =	shalt  }
0x51: {  	_ =	shalt  }
0x52: {  	_ =	shalt  }
0x53: {  	_ =	shalt  }
0x54: {  	_ =	shalt  }
0x55: {  	_ =	shalt  }
0x56: {  	_ =	shalt  }
0x57: {  	_ =	shalt  }
0x58: {  	_ =	shalt  }
0x59: {  	_ =	shalt  }
0x5a: {  	_ =	shalt  }
0x5b: {  	_ =	shalt  }
0x5c: {  	_ =	shalt  }
0x5d: {  	_ =	shalt  }
0x5e: {  	_ =	shalt  }
0x5f: {  	_ =	shalt  }
0x60: {  	_ =	shalt  }
0x61: {  	_ =	shalt  }
0x62: {  	_ =	shalt  }
0x63: {  	_ =	shalt  }
0x64: {  	_ =	shalt  }
0x65: {  	_ =	shalt  }
0x66: {  	_ =	shalt  }
0x67: {  	_ =	shalt  }
0x68: {  	_ =	shalt  }
0x69: {  	_ =	shalt  }
0x6a: {  	_ =	shalt  }
0x6b: {  	_ =	shalt  }
0x6c: {  	_ =	shalt  }
0x6d: {  	_ =	shalt  }
0x6e: {  	_ =	shalt  }
0x6f: {  	_ =	shalt  }
0x70: {  	_ =	shalt  }
0x71: {  	_ =	shalt  }
0x72: {  	_ =	shalt  }
0x73: {  	_ =	shalt  }
0x74: {  	_ =	shalt  }
0x75: {  	_ =	shalt  }
0x76: {  	_ =	shalt  }
0x77: {  	_ =	shalt  }
0x78: {  	_ =	shalt  }
0x79: {  	_ =	shalt  }
0x7a: {  	_ =	shalt  }
0x7b: {  	_ =	shalt  }
0x7c: {  	_ =	shalt  }
0x7d: {  	_ =	shalt  }
0x7e: {  	_ =	shalt  }
0x7f: {  	_ =	shalt  }
0x80: {  	_ =	shalt  }
0x81: {  	_ =	shalt  }
0x82: {  	_ =	shalt  }
0x83: {  	_ =	shalt  }
0x84: {  	_ =	shalt  }
0x85: {  	_ =	shalt  }
0x86: {  	_ =	shalt  }
0x87: {  	_ =	shalt  }
.Lfunc_end0:
.L_simem_size_0:
called_computation.1_lowered:
.L_overlay_start_0:
0x88: {  	s2 =	sld [smem:$0x3FD9]  }
0x89: {  	s3 =	sld [smem:$0x3FFE];
	_ =	sdelay $0x1  }
0x8a: {  	s1 =	srdreg.scid  }
0x8b: {  	s0 =	sand.u32 $0x1, s1  }
0x8c: {  	s17 =	sshll.u32 s0, $0xA;
	s2 =	sadd.s32 s3, s2  }
0x8d: {  	s2 =	sadd.s32 s2, s17  }
0x8e: {  	[smem:$0x3FAF] =	sst s2  }
0x8f: {  	_ = 	snop  }
0x90: {  	s2 =	sld [smem:$0x3FC6]  }
0x91: {  	s18 =	sld [smem:$0x3FC5]  }
0x92: {  	s4 =	sld [smem:$0x3FD0];
	(tm) =	ssettm $0x1  }
0x93: {  	s5 =	sld [smem:$0x3FFB];
	_ =	sdelay $0x3  }
0x94: {  	_ =	strace s5  }
0x95: {  	s5 =	sld [smem:$0x3FFC];
	_ =	sdelay $0x3  }
0x96: {  	_ =	strace s5  }
0x97: {  	s5 =	sld [smem:$0x3FFD];
	_ =	sdelay $0x3  }
0x98: {  	_ =	strace s5  }
0x99: {  	_ =	strace $0x8FFFFFFF  }
0x9a: {  	s19 =	sld [smem:$0x3FDB];
	_ =	sdelay $0x1  }
0x9b: {  	s6 =	simm.s32 $_scs_section_size  }
0x9c: {  	s7 =	simm.s32 $_size__tile_overlayer_lowered;
	s8 =	simm.s32 $_tile_overlayer_lowered  }
0x9d: {  	s22 =	simm.s32 $0x1BFF;
	s21 =	sshll.u32 s8, $0x1;
	s5 =	sadd.s32 s6, s19  }
0x9e: {  	s9 =	simm.s32 $0x0;
	s20 =	sshll.u32 s7, $0x1;
	s7 =	sadd.s32 s21, s5  }
0x9f: {  	[timem:s9], [sflag:s22] =	dma.local [hbm:s7], s20  }
0xa0: {  	_ =	swait.ge [sflag:s22], s20  }
0xa1: {  	s6 =	ssub.s32 $0x0, s20;
	[sflag:s22] =	ssyncset.done $0x0  }
0xa2: {  	[sflag:s22] =	ssyncadd.s32 s6;
	_ =	sdelay $0x1  }
0xa3: {  	s23 =	simm.s32 $0x1B8B  }
0xa4: {  	_ =	swait.ge [sflag:s23], $0x1  }
0xa5: {  	[sflag:s23] =	ssyncset.done $0x0  }
0xa6: {  	s25 =	simm.s32 $0x1B8E;
	s24 =	sld [smem:$0x3FFE];
	[sflag:s23] =	ssyncadd.s32 $0xFFFFFFFF  }
0xa7: {  	s26 =	simm.s32 $execute0_lowered;
	[smem:$0x3FD2] =	sst s25  }
0xa8: {  	s7 =	sshll.u32 s26, $0x1;
	_ =	strace $0x80000049;
	[dreg:$0x1] =	wrdreg $0xFFFFFFFF  }
0xa9: {  	s28 =	simm.s32 $_size_execute0_lowered;
	s5 =	sadd.s32 s5, s7;
	[dreg:$0x0] =	wrdreg $0x0  }
0xaa: {  	s7 =	sshll.u32 s28, $0x1;
	[dreg:$0x2] =	wrdreg s5  }
0xab: {  	[dreg:$0x3] =	wrdreg s7  }
0xac: {  	[dreg:$0x4] =	wrdreg $0xC0  }
0xad: {  	_ =	task [dreg:s9], $0x5FFFF  }
0xae: {  	[dreg:$0x1] =	wrdreg $0xFFFFFFFF  }
0xaf: {  	[dreg:$0x0] =	wrdreg $0x60  }
0xb0: {  	[dreg:$0x2] =	wrdreg s24  }
0xb1: {  	[dreg:$0x3] =	wrdreg s18  }
0xb2: {  	[dreg:$0x4] =	wrdreg s2  }
0xb3: {  	[dreg:$0x5] =	wrdreg s4  }
0xb4: {  	[dreg:$0x6] =	wrdreg $0x0  }
0xb5: {  	[dreg:$0x7] =	wrdreg $0x9  }
0xb6: {  	_ =	task.clear_ibuf [dreg:s9], $0x8FFFF;
	_ =	strace $0x90000049  }
0xb7: {  	s29 =	simm.s32 $0x9;
	_ =	strace $0x8000004B  }
0xb8: {  	_ =	swait.ge [sflag:s29], $0x1  }
0xb9: {  	[sflag:s29] =	ssyncadd.s32 $0xFFFFFFFF  }
0xba: {  	_ =	strace $0x9000004B  }
0xbb: {  	_ =	sfence  }
0xbc: {  	s30 =	sld [smem:$0x0];
	_ =	sdelay $0x2  }
0xbd: {  	s31 =	sshll.u32 s1, $0xD;
	s1 =	sshrl.u32 s1, $0x2  }
0xbe: {  	s3 =	sand.u32 $0x4000, s31;
	s1 =	sadd.s32 s1, s30  }
0xbf: {  	s0 =	sor.u32 s3, s0;
	s1 =	sshll.u32 s1, $0x11  }
0xc0: {  	s0 =	sor.u32 s1, s0  }
0xc1: {  	s0 =	sadd.s32 $0x8F2B, s0  }
0xc2: {  	[sflag:s0] =	ssyncadd.remote.s32 $0x1  }
0xc3: {  	_ =	sfence.sel $0xFFFF  }
0xc4: {  	[dreg:$0x0] =	wrdreg $0xFFFFFFFF;
	(pc) =	sbr.abs _section_cstart, $3  }
0xc5: {  	[dreg:$0x1] =	wrdreg $0xFFFFFFFF  }
0xc6: {  	_ =	task.clear_ibuf [dreg:s9], $0x2FFFF;
	_ =	strace $0x9FFFFFFF  }
0xc7: {  	(tm) =	ssettm $0x7FFFFFFF  }
tec
execute0_lowered:
.L_overlay_start_1:
0x0: {  	(tag) =	ssettag $0x1  }
0x1: {  	s5 =	rddreg [dreg:$0x0]  }
0x2: {  	s9 =	rddreg [dreg:$0x1]  }
0x3: {  	s10 =	rddreg [dreg:$0x2]  }
0x4: {  	s1 =	rddreg [dreg:$0x3]  }
0x5: {  	s2 =	rddreg [dreg:$0x4]  }
0x6: {  	s0 =	rddreg [dreg:$0x5];
	s3 =	simm.s32 $0x0  }
0x7: {  	s4 =	srdreg.scid;
	s11 =	stileid.u32;
	s18 =	simm.s32 $0x1  }
0x8: {  	s19 =	simm.s32 $0x0;
	[smem:$0x7FF] =	sst s3;
	s7 =	smul.u32 $0x618, s11  }
0x9: {  	s6 =	sand.u32 $0x1, s4;
	s4 =	sadd.s32 $0x117A00, s5;
	s12 =	smul.u32 $0x6DB00, s11  }
0xa: {  	s13 =	sadd.s32 $0x12DA00, s5;
	s31 =	sshll.u32 s11, $0x6;
	s16 =	smul.u32 $0x9C4, s11  }
0xb: {  	s14 =	sadd.s32 $0x1B6C00, s2;
	p0 =	sne.s32 s11, $0x0;
	s17 =	smul.u32 $0x61A8, s6  }
0xc: {  	_ =	strace $0x8000004A;
	s8 =	ssub.s32 $0x2, s6;
	s6 =	smul.u32 $0x1B7740, s6  }
0xd: {  	s5 =	sor.u32 $0x1C02, s31;
	s29 =	sshrl.u32 s8, $0x1;
	s30 =	sshrl.u32 s12, $0x2  }
0xe: {  	s9 =	sadd.s32 s16, s9;
	s10 =	sadd.s32 s16, s10;
	s16 =	simm.s32 $0x50  }
0xf: {  	s8 =	ssub.s32 s8, s29;
	s12 =	sadd.s32 s30, s2;
	s7 =	sadd.s32 s7, s17  }
0x10: {  	s6 =	sshrl.u32 s6, $0x3;
	v0 =	vmov s17;
	s17 =	simm.s32 $0x1B838;
	s7 =	smul.u32 $0x9, s7  }
0x11: {  	s15 =	sadd.s32 s13, s6;
	s8 =	smax.u32 s8, $0x1;
	s11 =	sshrl.u32 s12, $0x3  }
0x12: {  	s12 =	simm.s32 $0x2;
	s6 =	sadd.s32 s13, s7;
	s7 =	sadd.s32 $0x36D80, s15  }
0x13: {  	s13 =	sshrl.u32 @!p0 s14, $0x3;
	s14 =	simm.s32 $0x1B798;
	s15 =	simm.s32 $0x1B7E8  }
.LBB2_1:
0x14: {  	[spmem:s11], [sflag:s5] =	dma.local [hbm:s1], $0x36D8  }
0x15: {  	_ =	swait.ge [sflag:s12], $0x36D8  }
0x16: {  	[sflag:s12] =	ssyncset.done $0x0  }
0x17: {  	s20 =	simm.s32 @!p0 $0x2;
	[sflag:s12] =	ssyncadd.s32 $0xFFFFC928  }
0x18: {  	[spmem:s13], [sflag:s5] =	dma.local @!p0 [hbm:s1], $0x1B0  }
0x19: {  	_ =	swait.ge @!p0 [sflag:s20], $0x1B0  }
0x1a: {  	[sflag:s20] =	ssyncset.done @!p0 $0x0  }
0x1b: {  	[sflag:s20] =	ssyncadd.s32 @!p0 $0xFFFFFE50  }
0x1c: {  	s30 =	sadd.s32 $0x0, s10;
	[bflag:$0x0] =	sbarrier.arrive $0xFFFF  }
0x1d: {  	[tilespmem:s14], [sflag:$0x2] =	stream.linear.gather [hbm4b:s30+s3], $0x50, $0x38;
	[tilespmem:$0x1CEB8] =	vst v63  }
0x1e: {  	_ =	swait.ge [sflag:s12], $0x50  }
0x1f: {  	[sflag:s12] =	ssyncset.done $0x0  }
0x20: {  	s31 =	sadd.s32 $0x0, s9;
	[sflag:s12] =	ssyncadd.s32 $0xFFFFFFB0  }
0x21: {  	[tilespmem:s15], [sflag:$0x2] =	stream.linear.gather [hbm4b:s31+s3], $0x50, $0x38;
	[tilespmem:$0x1CEB8] =	vst v63  }
0x22: {  	_ =	swait.ge [sflag:s12], $0x50  }
0x23: {  	[sflag:s12] =	ssyncset.done $0x0  }
0x24: {  	[sflag:s12] =	ssyncadd.s32 $0xFFFFFFB0  }
0x25: {  	v1 =	vld [tilespmem:$0x1B828]  }
0x26: {  	v2 =	vld [tilespmem:$0x1B818]  }
0x27: {  	v3 =	vld [tilespmem:$0x1B808]  }
0x28: {  	v4 =	vld [tilespmem:$0x1B7F8]  }
0x29: {  	v5 =	vld [tilespmem:$0x1B7E8]  }
0x2a: {  	v1 =	vsub.s32 v1, v0  }
0x2b: {  	v2 =	vsub.s32 v2, v0;
	v1 =	vmin.u32 v1, $0x61A8  }
0x2c: {  	v3 =	vsub.s32 v3, v0;
	v2 =	vmin.u32 v2, $0x61A8;
	[tilespmem:$0x1B828] =	vst v1  }
0x2d: {  	v3 =	vmin.u32 v3, $0x61A8;
	v1 =	vsub.s32 v4, v0;
	[tilespmem:$0x1B818] =	vst v2  }
0x2e: {  	v2 =	vsub.s32 v5, v0;
	[tilespmem:$0x1B808] =	vst v3;
	v1 =	vmin.u32 v1, $0x61A8  }
0x2f: {  	v2 =	vmin.u32 v2, $0x61A8;
	[tilespmem:$0x1B7F8] =	vst v1  }
0x30: {  	[tilespmem:$0x1B7E8] =	vst v2  }
0x31: {  	[tilespmem:s17], [sflag:$0x1] =	stream.indirect.gather [hbm4b:s4+s16], $0x48, s14, s16, $0xb8;
	[tilespmem:$0x1CEB8] =	vst v63  }
0x32: {  	_ =	swait.ge [sflag:s18], $0x1680  }
0x33: {  	s20 =	simm.s32 $0xA;
	[sflag:s18] =	ssyncset.done $0x0  }
.LBB2_2:
0x34: {  	p1 =	sne.s32 s20, $0x9BA  }
0x35: {  	[sflag:s18] =	ssyncadd.s32 $0xFFFFE980;
	s21 =	smov.u32 s20;
	s20 =	sadd.s32 $0xA, s20  }
0x36: {  	[spmem:s2] =	stream.indirect.scatter.add.f32 [tilespmem:s17], [sflag:$0x2], $0x48, s15, s16, $0xb8;
	[tilespmem:$0x1CEB8] =	vst v63  }
0x37: {  	_ =	swait.ge [sflag:s12], $0x1680  }
0x38: {  	[sflag:s12] =	ssyncset.done $0x0  }
0x39: {  	s22 =	sadd.s32 s21, s10;
	[sflag:s12] =	ssyncadd.s32 $0xFFFFE980  }
0x3a: {  	[tilespmem:s14], [sflag:$0x2] =	stream.linear.gather [hbm4b:s22+s3], $0x50, $0x38;
	[tilespmem:$0x1CEB8] =	vst v63  }
0x3b: {  	_ =	swait.ge [sflag:s12], $0x50  }
0x3c: {  	[sflag:s12] =	ssyncset.done $0x0  }
0x3d: {  	s21 =	sadd.s32 s21, s9;
	[sflag:s12] =	ssyncadd.s32 $0xFFFFFFB0  }
0x3e: {  	[tilespmem:s15], [sflag:$0x2] =	stream.linear.gather [hbm4b:s21+s3], $0x50, $0x38;
	[tilespmem:$0x1CEB8] =	vst v63  }
0x3f: {  	_ =	swait.ge [sflag:s12], $0x50  }
0x40: {  	[sflag:s12] =	ssyncset.done $0x0  }
0x41: {  	[sflag:s12] =	ssyncadd.s32 $0xFFFFFFB0  }
0x42: {  	v1 =	vld [tilespmem:$0x1B828]  }
0x43: {  	v2 =	vld [tilespmem:$0x1B818]  }
0x44: {  	v3 =	vld [tilespmem:$0x1B808]  }
0x45: {  	v4 =	vld [tilespmem:$0x1B7F8]  }
0x46: {  	v5 =	vld [tilespmem:$0x1B7E8]  }
0x47: {  	v1 =	vsub.s32 v1, v0  }
0x48: {  	v2 =	vsub.s32 v2, v0;
	v1 =	vmin.u32 v1, $0x61A8  }
0x49: {  	v3 =	vsub.s32 v3, v0;
	v2 =	vmin.u32 v2, $0x61A8;
	[tilespmem:$0x1B828] =	vst v1  }
0x4a: {  	v1 =	vsub.s32 v4, v0;
	v3 =	vmin.u32 v3, $0x61A8;
	[tilespmem:$0x1B818] =	vst v2  }
0x4b: {  	v2 =	vsub.s32 v5, v0;
	v1 =	vmin.u32 v1, $0x61A8;
	[tilespmem:$0x1B808] =	vst v3  }
.Ltmp0:
0x4c: {  	v2 =	vmin.u32 v2, $0x61A8;
	[tilespmem:$0x1B7F8] =	vst v1;
	(pc) =	sbr.rel @p1 .LBB2_2-.Ltmp0, $4  }
0x4d: {  	[tilespmem:$0x1B7E8] =	vst v2  }
0x4e: {  	[tilespmem:s17], [sflag:$0x1] =	stream.indirect.gather [hbm4b:s4+s16], $0x48, s14, s16, $0xb8;
	[tilespmem:$0x1CEB8] =	vst v63  }
0x4f: {  	_ =	swait.ge [sflag:s18], $0x1680  }
0x50: {  	[sflag:s18] =	ssyncset.done $0x0  }
0x51: {  	[sflag:s18] =	ssyncadd.s32 $0xFFFFE980  }
0x52: {  	[spmem:s2] =	stream.indirect.scatter.add.f32 [tilespmem:s17], [sflag:$0x2], $0x48, s15, s16, $0xb8;
	[tilespmem:$0x1CEB8] =	vst v63  }
0x53: {  	_ =	swait.ge [sflag:s12], $0x1680  }
0x54: {  	[sflag:s12] =	ssyncset.done $0x0  }
0x55: {  	[sflag:s12] =	ssyncadd.s32 $0xFFFFE980  }
0x56: {  	[bflag:$0x0] =	sbarrier.arrive $0xFFFF  }
0x57: {  	[hbm:s6], [sflag:s5] =	dma.local [spmem:s11], $0x36D8  }
0x58: {  	s19 =	sadd.s32 $0x1, s19;
	_ =	swait.ge [sflag:s12], $0x36D8  }
0x59: {  	p1 =	sne.s32 s19, s8;
	[sflag:s12] =	ssyncset.done $0x0  }
.Ltmp1:
0x5a: {  	s20 =	simm.s32 @!p0 $0x2;
	[sflag:s12] =	ssyncadd.s32 $0xFFFFC928;
	(pc) =	sbr.rel @p1 .LBB2_1-.Ltmp1, $4  }
0x5b: {  	[hbm:s7], [sflag:s5] =	dma.local @!p0 [spmem:s13], $0x168  }
0x5c: {  	_ =	swait.ge @!p0 [sflag:s20], $0x168  }
0x5d: {  	[sflag:s20] =	ssyncset.done @!p0 $0x0  }
0x5e: {  	[sflag:s20] =	ssyncadd.s32 @!p0 $0xFFFFFE98  }
0x5f: {  	_ =	sfence.sel $0x180000  }
0x60: {  	[bflag:$0x0] =	sbarrier.arrive $0xFFFF  }
0x61: {  	_ =	strace $0x9000004A  }
0x62: {  	s0 =	sadd.s32 @!p0 $0x100000, s0;
	[bflag:$0x2] =	sbarrier.arrive $0xFFFF  }
0x63: {  	[sflag:s0] =	ssyncadd.tile.s32 @!p0 $0x1;
	_ =	shalt  }
.Lfunc_end2:
_tile_overlayer_lowered:
.L_overlay_start_2:
0x64: {  	(tag) =	ssettag $0x2  }
0x65: {  	s0 =	rddreg [dreg:$0x0];
	s2 =	stileid.u32  }
0x66: {  	s1 =	rddreg [dreg:$0x1];
	p0 =	sne.s32 s2, $0x0  }
0x67: {  	s3 =	rddreg [dreg:$0x2];
	[bflag:$0x3] =	sbarrier.arrive $0xFFFF;
	s2 =	simm.s32 @!p0 $0x1C02  }
0x68: {  	[timem:s3], [sflag:s2] =	dma.local @!p0 [hbm:s0], s1  }
0x69: {  	s0 =	simm.s32 @!p0 $0x2  }
0x6a: {  	_ =	swait.ge @!p0 [sflag:s0], s1  }
0x6b: {  	s1 =	ssub.s32 @!p0 $0x0, s1;
	[sflag:s0] =	ssyncset.done @!p0 $0x0  }
0x6c: {  	[sflag:s0] =	ssyncadd.s32 @!p0 s1  }
0x6d: {  	[bflag:$0x3] =	sbarrier.arrive $0xFFFF  }
0x6e: {  	_ =	shalt  }

// kernel: kernel.14.cloned.1.call-start
scs
__scs_entry_jumppad:
0x0: {  	(pc) =	sbr.rel $0x88, $3  }
0x1: {  	(tag) =	ssettag $0x0;
	lr =	simm.s32 $0x1  }
0x2: {  	[smem:$0x3F88] =	sst lr;
	_ =	strace $0xD0000000  }
0x3: {  	_ = 	snop  }
0x4: {  	_ = 	snop  }
0x5: {  	_ = 	snop  }
0x6: {  	_ = 	snop  }
0x7: {  	_ = 	snop  }
__scs_overlays_trampoline_lowered:
0x8: {  	[smem:$0x3F97] =	sst s0  }
0x9: {  	[smem:$0x3F98] =	sst s1  }
0xa: {  	[smem:$0x3F99] =	sst s2  }
0xb: {  	[smem:$0x3F9A] =	sst s3  }
0xc: {  	[smem:$0x3F9B] =	sst s4  }
0xd: {  	[smem:$0x3F9C] =	sst s5  }
0xe: {  	[smem:$0x3F9D] =	sst s6  }
0xf: {  	[smem:$0x3F9E] =	sst s7  }
0x10: {  	[smem:$0x3F9F] =	sst s8  }
0x11: {  	[smem:$0x3FA0] =	sst s9;
	s0 =	simm.s32 @!p0 $0x0  }
0x12: {  	s1 =	sld [smem:$0x3F86];
	s0 =	simm.s32 @p0 $0x1  }
0x13: {  	[smem:$0x3FA1] =	sst s0;
	s0 =	simm.s32 @!p1 $0x0  }
0x14: {  	s2 =	sld [smem:$0x3F85];
	s0 =	simm.s32 @p1 $0x1  }
0x15: {  	[smem:$0x3FA2] =	sst s0;
	s0 =	simm.s32 @!p2 $0x0  }
0x16: {  	s3 =	sld [smem:$0x3FDB];
	s0 =	simm.s32 @p2 $0x1  }
0x17: {  	s4 =	simm.s32 $0x1BF5;
	[smem:$0x3FA4] =	sst s0  }
0x18: {  	s0 =	sld [smem:$0x3F87];
	_ =	swait.ge [sflag:s4], $0x0  }
0x19: {  	s7 =	sld [smem:$0x3F88]  }
0x1a: {  	s8 =	sadd.s32 $0xFFFFE003, lr  }
0x1b: {  	s9 =	sadd.s32 $0xFFFFFEF7, lr;
	s5 =	simm.s32 $0xFFFFFFFF;
	p2 =	slt.u32 s8, $0xFFFFF086  }
0x1c: {  	p1 =	slt.u32 s9, $0xF7A;
	s5 =	simm.s32 @!p2 $0x0  }
0x1d: {  	s5 =	simm.s32 @p1 $0x1;
	p0 =	seq.s32 s7, s2  }
0x1e: {  	s7 =	smul.u32 @!p0 $0xF7A, s2;
	p2 =	seq.s32 @!p0 s5, $0x0  }
0x1f: {  	s9 =	smul.u32 $0xF7A, s1;
	s8 =	simm.s32 @!p0 $0x1BF5;
	p2 =	por !p2, p0  }
0x20: {  	[sflag:s8] =	ssyncset.s32 @!p0 $0xFFFFF086;
	s6 =	sadd.s32 @!p0 s3, s7;
	s7 =	simm.s32 @!p0 $0x108  }
0x21: {  	s3 =	sadd.s32 s3, s9;
	s6 =	sadd.s32 @!p0 $0x88, s6;
	s7 =	simm.s32 @p2 $0x1082  }
0x22: {  	[simem:s7], [sflag:s8] =	dma.local @!p0 [hbm:s6], $0xF7A  }
0x23: {  	s9 =	sor.u32 $0xD0000000, s2;
	s6 =	simm.s32 $0x108;
	_ =	swait.ge @!p0 [sflag:s8], $0x0  }
0x24: {  	s3 =	sadd.s32 $0x88, s3;
	s6 =	simm.s32 @!p1 $0x1082;
	[sflag:s4] =	ssyncset.s32 $0xFFFFF086  }
0x25: {  	[simem:s6], [sflag:s4] =	dma.local [hbm:s3], $0xF7A  }
0x26: {  	[smem:$0x3F88] =	sst s1;
	(tag) =	ssettag s2;
	_ =	strace s9  }
0x27: {  	s1 =	sld [smem:$0x3F98]  }
0x28: {  	s2 =	sld [smem:$0x3F99]  }
0x29: {  	s4 =	sld [smem:$0x3F9B]  }
0x2a: {  	p0 =	seq.s32 s5, $0x0;
	s5 =	sld [smem:$0x3F9C]  }
0x2b: {  	s6 =	sld [smem:$0x3F9D]  }
0x2c: {  	s7 =	sld [smem:$0x3F9E]  }
0x2d: {  	s3 =	simm.s32 $0x108;
	s8 =	sld [smem:$0x3F9F]  }
0x2e: {  	s3 =	simm.s32 @!p0 $0x1082;
	s9 =	sld [smem:$0x3FA0]  }
0x2f: {  	lr =	sadd.s32 s0, s3;
	s0 =	sld [smem:$0x3F97]  }
0x30: {  	s3 =	sld [smem:$0x3F9A]  }
0x31: {  	[smem:$0x3FA3] =	sst s10  }
0x32: {  	s10 =	sld [smem:$0x3FA1];
	_ =	sdelay $0x3  }
0x33: {  	p0 =	seq.s32 s10, $0x1;
	s10 =	sld [smem:$0x3FA3];
	_ =	sdelay $0x3  }
0x34: {  	[smem:$0x3FA3] =	sst s10  }
0x35: {  	s10 =	sld [smem:$0x3FA2];
	_ =	sdelay $0x3  }
0x36: {  	p1 =	seq.s32 s10, $0x1;
	s10 =	sld [smem:$0x3FA3];
	_ =	sdelay $0x3  }
0x37: {  	[smem:$0x3FA3] =	sst s10  }
0x38: {  	s10 =	sld [smem:$0x3FA4]  }
0x39: {  	_ = 	snop;
	(pc) =	sbr.ind lr, $3  }
0x3a: {  	_ = 	snop  }
0x3b: {  	_ = 	snop  }
0x3c: {  	p2 =	seq.s32 s10, $0x1;
	s10 =	sld [smem:$0x3FA3]  }
0x3d: {  	_ =	shalt  }
0x3e: {  	_ =	shalt  }
0x3f: {  	_ =	shalt  }
0x40: {  	_ =	shalt  }
0x41: {  	_ =	shalt  }
0x42: {  	_ =	shalt  }
0x43: {  	_ =	shalt  }
0x44: {  	_ =	shalt  }
0x45: {  	_ =	shalt  }
0x46: {  	_ =	shalt  }
0x47: {  	_ =	shalt  }
0x48: {  	_ =	shalt  }
0x49: {  	_ =	shalt  }
0x4a: {  	_ =	shalt  }
0x4b: {  	_ =	shalt  }
0x4c: {  	_ =	shalt  }
0x4d: {  	_ =	shalt  }
0x4e: {  	_ =	shalt  }
0x4f: {  	_ =	shalt  }
0x50: {  	_ =	shalt  }
0x51: {  	_ =	shalt  }
0x52: {  	_ =	shalt  }
0x53: {  	_ =	shalt  }
0x54: {  	_ =	shalt  }
0x55: {  	_ =	shalt  }
0x56: {  	_ =	shalt  }
0x57: {  	_ =	shalt  }
0x58: {  	_ =	shalt  }
0x59: {  	_ =	shalt  }
0x5a: {  	_ =	shalt  }
0x5b: {  	_ =	shalt  }
0x5c: {  	_ =	shalt  }
0x5d: {  	_ =	shalt  }
0x5e: {  	_ =	shalt  }
0x5f: {  	_ =	shalt  }
0x60: {  	_ =	shalt  }
0x61: {  	_ =	shalt  }
0x62: {  	_ =	shalt  }
0x63: {  	_ =	shalt  }
0x64: {  	_ =	shalt  }
0x65: {  	_ =	shalt  }
0x66: {  	_ =	shalt  }
0x67: {  	_ =	shalt  }
0x68: {  	_ =	shalt  }
0x69: {  	_ =	shalt  }
0x6a: {  	_ =	shalt  }
0x6b: {  	_ =	shalt  }
0x6c: {  	_ =	shalt  }
0x6d: {  	_ =	shalt  }
0x6e: {  	_ =	shalt  }
0x6f: {  	_ =	shalt  }
0x70: {  	_ =	shalt  }
0x71: {  	_ =	shalt  }
0x72: {  	_ =	shalt  }
0x73: {  	_ =	shalt  }
0x74: {  	_ =	shalt  }
0x75: {  	_ =	shalt  }
0x76: {  	_ =	shalt  }
0x77: {  	_ =	shalt  }
0x78: {  	_ =	shalt  }
0x79: {  	_ =	shalt  }
0x7a: {  	_ =	shalt  }
0x7b: {  	_ =	shalt  }
0x7c: {  	_ =	shalt  }
0x7d: {  	_ =	shalt  }
0x7e: {  	_ =	shalt  }
0x7f: {  	_ =	shalt  }
0x80: {  	_ =	shalt  }
0x81: {  	_ =	shalt  }
0x82: {  	_ =	shalt  }
0x83: {  	_ =	shalt  }
0x84: {  	_ =	shalt  }
0x85: {  	_ =	shalt  }
0x86: {  	_ =	shalt  }
0x87: {  	_ =	shalt  }
.Lfunc_end0:
.L_simem_size_0:
called_computation.2_lowered:
.L_overlay_start_0:
0x88: {  	s2 =	sld [smem:$0x3FD9]  }
0x89: {  	s3 =	sld [smem:$0x3FFE];
	_ =	sdelay $0x1  }
0x8a: {  	s1 =	srdreg.scid  }
0x8b: {  	s0 =	sand.u32 $0x1, s1  }
0x8c: {  	s17 =	sshll.u32 s0, $0xA;
	s2 =	sadd.s32 s3, s2  }
0x8d: {  	s2 =	sadd.s32 s2, s17  }
0x8e: {  	[smem:$0x3FAF] =	sst s2  }
0x8f: {  	_ = 	snop  }
0x90: {  	s2 =	sld [smem:$0x3FC6]  }
0x91: {  	s18 =	sld [smem:$0x3FC5]  }
0x92: {  	s4 =	sld [smem:$0x3FD0];
	(tm) =	ssettm $0x1  }
0x93: {  	s5 =	sld [smem:$0x3FFB];
	_ =	sdelay $0x3  }
0x94: {  	_ =	strace s5  }
0x95: {  	s5 =	sld [smem:$0x3FFC];
	_ =	sdelay $0x3  }
0x96: {  	_ =	strace s5  }
0x97: {  	s5 =	sld [smem:$0x3FFD];
	_ =	sdelay $0x3  }
0x98: {  	_ =	strace s5  }
0x99: {  	_ =	strace $0x8FFFFFFF  }
0x9a: {  	s19 =	sld [smem:$0x3FDB];
	_ =	sdelay $0x1  }
0x9b: {  	s6 =	simm.s32 $_scs_section_size  }
0x9c: {  	s7 =	simm.s32 $_size__tile_overlayer_lowered;
	s8 =	simm.s32 $_tile_overlayer_lowered  }
0x9d: {  	s22 =	simm.s32 $0x1BFF;
	s21 =	sshll.u32 s8, $0x1;
	s5 =	sadd.s32 s6, s19  }
0x9e: {  	s9 =	simm.s32 $0x0;
	s20 =	sshll.u32 s7, $0x1;
	s7 =	sadd.s32 s21, s5  }
0x9f: {  	[timem:s9], [sflag:s22] =	dma.local [hbm:s7], s20  }
0xa0: {  	_ =	swait.ge [sflag:s22], s20  }
0xa1: {  	s6 =	ssub.s32 $0x0, s20;
	[sflag:s22] =	ssyncset.done $0x0  }
0xa2: {  	[sflag:s22] =	ssyncadd.s32 s6;
	_ =	sdelay $0x1  }
0xa3: {  	s23 =	simm.s32 $0x1B8B  }
0xa4: {  	_ =	swait.ge [sflag:s23], $0x1  }
0xa5: {  	[sflag:s23] =	ssyncset.done $0x0  }
0xa6: {  	s25 =	simm.s32 $0x1B8E;
	s24 =	sld [smem:$0x3FFE];
	[sflag:s23] =	ssyncadd.s32 $0xFFFFFFFF  }
0xa7: {  	s26 =	simm.s32 $execute0_lowered;
	[smem:$0x3FD2] =	sst s25  }
0xa8: {  	s7 =	sshll.u32 s26, $0x1;
	_ =	strace $0x8000004C;
	[dreg:$0x1] =	wrdreg $0xFFFFFFFF  }
0xa9: {  	s28 =	simm.s32 $_size_execute0_lowered;
	s5 =	sadd.s32 s5, s7;
	[dreg:$0x0] =	wrdreg $0x0  }
0xaa: {  	s7 =	sshll.u32 s28, $0x1;
	[dreg:$0x2] =	wrdreg s5  }
0xab: {  	[dreg:$0x3] =	wrdreg s7  }
0xac: {  	[dreg:$0x4] =	wrdreg $0xC0  }
0xad: {  	_ =	task [dreg:s9], $0x5FFFF  }
0xae: {  	[dreg:$0x1] =	wrdreg $0xFFFFFFFF  }
0xaf: {  	[dreg:$0x0] =	wrdreg $0x60  }
0xb0: {  	[dreg:$0x2] =	wrdreg s24  }
0xb1: {  	[dreg:$0x3] =	wrdreg s18  }
0xb2: {  	[dreg:$0x4] =	wrdreg s2  }
0xb3: {  	[dreg:$0x5] =	wrdreg s4  }
0xb4: {  	[dreg:$0x6] =	wrdreg $0x0  }
0xb5: {  	[dreg:$0x7] =	wrdreg $0x9  }
0xb6: {  	_ =	task.clear_ibuf [dreg:s9], $0x8FFFF;
	_ =	strace $0x9000004C  }
0xb7: {  	s29 =	simm.s32 $0x9;
	_ =	strace $0x8000004E  }
0xb8: {  	_ =	swait.ge [sflag:s29], $0x1  }
0xb9: {  	[sflag:s29] =	ssyncadd.s32 $0xFFFFFFFF  }
0xba: {  	_ =	strace $0x9000004E  }
0xbb: {  	_ =	sfence  }
0xbc: {  	s30 =	sld [smem:$0x0];
	_ =	sdelay $0x2  }
0xbd: {  	s31 =	sshll.u32 s1, $0xD;
	s1 =	sshrl.u32 s1, $0x2  }
0xbe: {  	s3 =	sand.u32 $0x4000, s31;
	s1 =	sadd.s32 s1, s30  }
0xbf: {  	s0 =	sor.u32 s3, s0;
	s1 =	sshll.u32 s1, $0x11  }
0xc0: {  	s0 =	sor.u32 s1, s0  }
0xc1: {  	s0 =	sadd.s32 $0x8F2B, s0  }
0xc2: {  	[sflag:s0] =	ssyncadd.remote.s32 $0x1  }
0xc3: {  	_ =	sfence.sel $0xFFFF  }
0xc4: {  	[dreg:$0x0] =	wrdreg $0xFFFFFFFF;
	(pc) =	sbr.abs _section_cstart, $3  }
0xc5: {  	[dreg:$0x1] =	wrdreg $0xFFFFFFFF  }
0xc6: {  	_ =	task.clear_ibuf [dreg:s9], $0x2FFFF;
	_ =	strace $0x9FFFFFFF  }
0xc7: {  	(tm) =	ssettm $0x7FFFFFFF  }
tec
execute0_lowered:
.L_overlay_start_1:
0x0: {  	(tag) =	ssettag $0x1  }
0x1: {  	s5 =	rddreg [dreg:$0x0]  }
0x2: {  	s10 =	rddreg [dreg:$0x1]  }
0x3: {  	s9 =	rddreg [dreg:$0x2]  }
0x4: {  	s1 =	rddreg [dreg:$0x3]  }
0x5: {  	s2 =	rddreg [dreg:$0x4]  }
0x6: {  	s0 =	rddreg [dreg:$0x5];
	s3 =	simm.s32 $0x0  }
0x7: {  	s4 =	srdreg.scid;
	s11 =	stileid.u32;
	s17 =	simm.s32 $0x9CE0  }
0x8: {  	s18 =	simm.s32 $0x1;
	s19 =	simm.s32 $0x0;
	[smem:$0x7FF] =	sst s3  }
0x9: {  	s6 =	sand.u32 $0x1, s4;
	s4 =	sadd.s32 $0x6200, s5;
	s12 =	smul.u32 $0x9C00, s11  }
0xa: {  	s13 =	sadd.s32 $0x67E00, s5;
	s29 =	sshll.u32 s11, $0x6;
	s31 =	smul.u32 $0x2710, s11  }
0xb: {  	s16 =	sadd.s32 $0x9C000, s2;
	p0 =	sne.s32 s11, $0x0;
	s28 =	smul.u32 $0x9C400, s6  }
0xc: {  	_ =	strace $0x8000004D;
	s7 =	ssub.s32 $0x2, s6;
	s15 =	smul.u32 $0x27100, s6  }
0xd: {  	s5 =	sor.u32 $0x1C02, s29;
	s8 =	sshrl.u32 s7, $0x1;
	s14 =	sadd.s32 s12, s2  }
0xe: {  	s8 =	ssub.s32 s7, s8;
	s30 =	sadd.s32 s12, s28;
	s7 =	sshrl.u32 s28, $0x3  }
0xf: {  	s12 =	sadd.s32 s31, s15;
	s11 =	sshrl.u32 s14, $0x3;
	s14 =	simm.s32 $0x9C40  }
0x10: {  	s15 =	simm.s32 $0x9C90;
	s6 =	sshrl.u32 s30, $0x3;
	s7 =	sadd.s32 s13, s7  }
0x11: {  	s8 =	smax.u32 s8, $0x1;
	s12 =	sshrl.u32 s12, $0x3;
	s6 =	sadd.s32 s13, s6  }
0x12: {  	s7 =	sadd.s32 $0x13800, s7;
	s9 =	sadd.s32 s12, s9;
	s10 =	sadd.s32 s12, s10  }
0x13: {  	s12 =	simm.s32 $0x2;
	s13 =	sshrl.u32 @!p0 s16, $0x3;
	s16 =	simm.s32 $0x50  }
.LBB2_1:
0x14: {  	[spmem:s11], [sflag:s5] =	dma.local [hbm:s1], $0x1380  }
0x15: {  	_ =	swait.ge [sflag:s12], $0x1380  }
0x16: {  	[sflag:s12] =	ssyncset.done $0x0  }
0x17: {  	s20 =	simm.s32 @!p0 $0x2;
	[sflag:s12] =	ssyncadd.s32 $0xFFFFEC80  }
0x18: {  	[spmem:s13], [sflag:s5] =	dma.local @!p0 [hbm:s1], $0x80  }
0x19: {  	_ =	swait.ge @!p0 [sflag:s20], $0x80  }
0x1a: {  	[sflag:s20] =	ssyncset.done @!p0 $0x0  }
0x1b: {  	[sflag:s20] =	ssyncadd.s32 @!p0 $0xFFFFFF80  }
0x1c: {  	s30 =	sadd.s32 $0x0, s10;
	[bflag:$0x0] =	sbarrier.arrive $0xFFFF  }
0x1d: {  	[tilespmem:s14], [sflag:$0x2] =	stream.linear.gather [hbm4b:s30+s3], $0x50, $0x38;
	[tilespmem:$0xB0E0] =	vst v63  }
0x1e: {  	_ =	swait.ge [sflag:s12], $0x50  }
0x1f: {  	[sflag:s12] =	ssyncset.done $0x0  }
0x20: {  	s31 =	sadd.s32 $0x0, s9;
	[sflag:s12] =	ssyncadd.s32 $0xFFFFFFB0  }
0x21: {  	[tilespmem:s15], [sflag:$0x2] =	stream.linear.gather [hbm4b:s31+s3], $0x50, $0x38;
	[tilespmem:$0xB0E0] =	vst v63  }
0x22: {  	_ =	swait.ge [sflag:s12], $0x50  }
0x23: {  	[sflag:s12] =	ssyncset.done $0x0  }
0x24: {  	[sflag:s12] =	ssyncadd.s32 $0xFFFFFFB0  }
0x25: {  	[tilespmem:s17], [sflag:$0x1] =	stream.indirect.gather [hbm4b:s4+s16], $0x40, s14, s16, $0xb8;
	[tilespmem:$0xB0E0] =	vst v63  }
0x26: {  	_ =	swait.ge [sflag:s18], $0x1400  }
0x27: {  	[sflag:s18] =	ssyncset.done $0x0  }
0x28: {  	[sflag:s18] =	ssyncadd.s32 $0xFFFFEC00  }
0x29: {  	[spmem:s2] =	stream.indirect.scatter.add.f32 [tilespmem:s17], [sflag:$0x2], $0x40, s15, s16, $0xb8;
	[tilespmem:$0xB0E0] =	vst v63  }
0x2a: {  	_ =	swait.ge [sflag:s12], $0x1400  }
0x2b: {  	s21 =	simm.s32 $0x14;
	s20 =	simm.s32 $0xA;
	[sflag:s12] =	ssyncset.done $0x0  }
.LBB2_2:
0x2c: {  	s22 =	sadd.s32 s20, s10  }
0x2d: {  	[sflag:s12] =	ssyncadd.s32 $0xFFFFEC00;
	s23 =	smov.u32 s21;
	s24 =	sadd.s32 $0xA, s21  }
0x2e: {  	[tilespmem:s14], [sflag:$0x2] =	stream.linear.gather [hbm4b:s22+s3], $0x50, $0x38;
	[tilespmem:$0xB0E0] =	vst v63  }
0x2f: {  	p1 =	sne.s32 s21, $0x4D8;
	_ =	swait.ge [sflag:s12], $0x50  }
0x30: {  	[sflag:s12] =	ssyncset.done $0x0  }
0x31: {  	s21 =	sadd.s32 s20, s9;
	s20 =	smov.u32 s23;
	[sflag:s12] =	ssyncadd.s32 $0xFFFFFFB0  }
0x32: {  	[tilespmem:s15], [sflag:$0x2] =	stream.linear.gather [hbm4b:s21+s3], $0x50, $0x38;
	[tilespmem:$0xB0E0] =	vst v63  }
0x33: {  	_ =	swait.ge [sflag:s12], $0x50  }
0x34: {  	[sflag:s12] =	ssyncset.done $0x0  }
0x35: {  	[sflag:s12] =	ssyncadd.s32 $0xFFFFFFB0  }
0x36: {  	[tilespmem:s17], [sflag:$0x1] =	stream.indirect.gather [hbm4b:s4+s16], $0x40, s14, s16, $0xb8;
	[tilespmem:$0xB0E0] =	vst v63  }
0x37: {  	_ =	swait.ge [sflag:s18], $0x1400  }
.Ltmp0:
0x38: {  	[sflag:s18] =	ssyncset.done $0x0;
	(pc) =	sbr.rel @p1 .LBB2_2-.Ltmp0, $4  }
0x39: {  	[sflag:s18] =	ssyncadd.s32 $0xFFFFEC00  }
0x3a: {  	[spmem:s2] =	stream.indirect.scatter.add.f32 [tilespmem:s17], [sflag:$0x2], $0x40, s15, s16, $0xb8;
	[tilespmem:$0xB0E0] =	vst v63  }
0x3b: {  	_ =	swait.ge [sflag:s12], $0x1400  }
0x3c: {  	s21 =	smov.u32 s24;
	[sflag:s12] =	ssyncset.done $0x0  }
0x3d: {  	s21 =	sadd.s32 s20, s10;
	[sflag:s12] =	ssyncadd.s32 $0xFFFFEC00  }
0x3e: {  	[tilespmem:s14], [sflag:$0x2] =	stream.linear.gather [hbm4b:s21+s3], $0x50, $0x38;
	[tilespmem:$0xB0E0] =	vst v63  }
0x3f: {  	_ =	swait.ge [sflag:s12], $0x50  }
0x40: {  	[sflag:s12] =	ssyncset.done $0x0  }
0x41: {  	s31 =	sadd.s32 s20, s9;
	[sflag:s12] =	ssyncadd.s32 $0xFFFFFFB0  }
0x42: {  	[tilespmem:s15], [sflag:$0x2] =	stream.linear.gather [hbm4b:s31+s3], $0x50, $0x38;
	[tilespmem:$0xB0E0] =	vst v63  }
0x43: {  	_ =	swait.ge [sflag:s12], $0x50  }
0x44: {  	[sflag:s12] =	ssyncset.done $0x0  }
0x45: {  	[sflag:s12] =	ssyncadd.s32 $0xFFFFFFB0  }
0x46: {  	[tilespmem:s17], [sflag:$0x1] =	stream.indirect.gather [hbm4b:s4+s16], $0x40, s14, s16, $0xb8;
	[tilespmem:$0xB0E0] =	vst v63  }
0x47: {  	_ =	swait.ge [sflag:s18], $0x1400  }
0x48: {  	[sflag:s18] =	ssyncset.done $0x0  }
0x49: {  	[sflag:s18] =	ssyncadd.s32 $0xFFFFEC00  }
0x4a: {  	[spmem:s2] =	stream.indirect.scatter.add.f32 [tilespmem:s17], [sflag:$0x2], $0x40, s15, s16, $0xb8;
	[tilespmem:$0xB0E0] =	vst v63  }
0x4b: {  	_ =	swait.ge [sflag:s12], $0x1400  }
0x4c: {  	[sflag:s12] =	ssyncset.done $0x0  }
0x4d: {  	[sflag:s12] =	ssyncadd.s32 $0xFFFFEC00  }
0x4e: {  	[bflag:$0x0] =	sbarrier.arrive $0xFFFF  }
0x4f: {  	[hbm:s6], [sflag:s5] =	dma.local [spmem:s11], $0x1380  }
0x50: {  	s19 =	sadd.s32 $0x1, s19;
	_ =	swait.ge [sflag:s12], $0x1380  }
0x51: {  	p1 =	sne.s32 s19, s8;
	[sflag:s12] =	ssyncset.done $0x0  }
.Ltmp1:
0x52: {  	s20 =	simm.s32 @!p0 $0x2;
	[sflag:s12] =	ssyncadd.s32 $0xFFFFEC80;
	(pc) =	sbr.rel @p1 .LBB2_1-.Ltmp1, $4  }
0x53: {  	[hbm:s7], [sflag:s5] =	dma.local @!p0 [spmem:s13], $0x80  }
0x54: {  	_ =	swait.ge @!p0 [sflag:s20], $0x80  }
0x55: {  	[sflag:s20] =	ssyncset.done @!p0 $0x0  }
0x56: {  	[sflag:s20] =	ssyncadd.s32 @!p0 $0xFFFFFF80  }
0x57: {  	_ =	sfence.sel $0x180000  }
0x58: {  	[bflag:$0x0] =	sbarrier.arrive $0xFFFF  }
0x59: {  	_ =	strace $0x9000004D  }
0x5a: {  	s0 =	sadd.s32 @!p0 $0x100000, s0;
	[bflag:$0x2] =	sbarrier.arrive $0xFFFF  }
0x5b: {  	[sflag:s0] =	ssyncadd.tile.s32 @!p0 $0x1;
	_ =	shalt  }
.Lfunc_end2:
_tile_overlayer_lowered:
.L_overlay_start_2:
0x5c: {  	(tag) =	ssettag $0x2  }
0x5d: {  	s0 =	rddreg [dreg:$0x0];
	s2 =	stileid.u32  }
0x5e: {  	s1 =	rddreg [dreg:$0x1];
	p0 =	sne.s32 s2, $0x0  }
0x5f: {  	s3 =	rddreg [dreg:$0x2];
	[bflag:$0x3] =	sbarrier.arrive $0xFFFF;
	s2 =	simm.s32 @!p0 $0x1C02  }
0x60: {  	[timem:s3], [sflag:s2] =	dma.local @!p0 [hbm:s0], s1  }
0x61: {  	s0 =	simm.s32 @!p0 $0x2  }
0x62: {  	_ =	swait.ge @!p0 [sflag:s0], s1  }
0x63: {  	s1 =	ssub.s32 @!p0 $0x0, s1;
	[sflag:s0] =	ssyncset.done @!p0 $0x0  }
0x64: {  	[sflag:s0] =	ssyncadd.s32 @!p0 s1  }
0x65: {  	[bflag:$0x3] =	sbarrier.arrive $0xFFFF  }
0x66: {  	_ =	shalt  }

// kernel: kernel.8.cloned.1.call-start
scs
__scs_entry_jumppad:
0x0: {  	(pc) =	sbr.rel $0x88, $3  }
0x1: {  	(tag) =	ssettag $0x0;
	lr =	simm.s32 $0x1  }
0x2: {  	[smem:$0x3F88] =	sst lr;
	_ =	strace $0xD0000000  }
0x3: {  	_ = 	snop  }
0x4: {  	_ = 	snop  }
0x5: {  	_ = 	snop  }
0x6: {  	_ = 	snop  }
0x7: {  	_ = 	snop  }
__scs_overlays_trampoline_lowered:
0x8: {  	[smem:$0x3F97] =	sst s0  }
0x9: {  	[smem:$0x3F98] =	sst s1  }
0xa: {  	[smem:$0x3F99] =	sst s2  }
0xb: {  	[smem:$0x3F9A] =	sst s3  }
0xc: {  	[smem:$0x3F9B] =	sst s4  }
0xd: {  	[smem:$0x3F9C] =	sst s5  }
0xe: {  	[smem:$0x3F9D] =	sst s6  }
0xf: {  	[smem:$0x3F9E] =	sst s7  }
0x10: {  	[smem:$0x3F9F] =	sst s8  }
0x11: {  	[smem:$0x3FA0] =	sst s9;
	s0 =	simm.s32 @!p0 $0x0  }
0x12: {  	s1 =	sld [smem:$0x3F86];
	s0 =	simm.s32 @p0 $0x1  }
0x13: {  	[smem:$0x3FA1] =	sst s0;
	s0 =	simm.s32 @!p1 $0x0  }
0x14: {  	s2 =	sld [smem:$0x3F85];
	s0 =	simm.s32 @p1 $0x1  }
0x15: {  	[smem:$0x3FA2] =	sst s0;
	s0 =	simm.s32 @!p2 $0x0  }
0x16: {  	s3 =	sld [smem:$0x3FDB];
	s0 =	simm.s32 @p2 $0x1  }
0x17: {  	s4 =	simm.s32 $0x1BF5;
	[smem:$0x3FA4] =	sst s0  }
0x18: {  	s0 =	sld [smem:$0x3F87];
	_ =	swait.ge [sflag:s4], $0x0  }
0x19: {  	s7 =	sld [smem:$0x3F88]  }
0x1a: {  	s8 =	sadd.s32 $0xFFFFE003, lr  }
0x1b: {  	s9 =	sadd.s32 $0xFFFFFEF7, lr;
	s5 =	simm.s32 $0xFFFFFFFF;
	p2 =	slt.u32 s8, $0xFFFFF086  }
0x1c: {  	p1 =	slt.u32 s9, $0xF7A;
	s5 =	simm.s32 @!p2 $0x0  }
0x1d: {  	s5 =	simm.s32 @p1 $0x1;
	p0 =	seq.s32 s7, s2  }
0x1e: {  	s7 =	smul.u32 @!p0 $0xF7A, s2;
	p2 =	seq.s32 @!p0 s5, $0x0  }
0x1f: {  	s9 =	smul.u32 $0xF7A, s1;
	s8 =	simm.s32 @!p0 $0x1BF5;
	p2 =	por !p2, p0  }
0x20: {  	[sflag:s8] =	ssyncset.s32 @!p0 $0xFFFFF086;
	s6 =	sadd.s32 @!p0 s3, s7;
	s7 =	simm.s32 @!p0 $0x108  }
0x21: {  	s3 =	sadd.s32 s3, s9;
	s6 =	sadd.s32 @!p0 $0x88, s6;
	s7 =	simm.s32 @p2 $0x1082  }
0x22: {  	[simem:s7], [sflag:s8] =	dma.local @!p0 [hbm:s6], $0xF7A  }
0x23: {  	s9 =	sor.u32 $0xD0000000, s2;
	s6 =	simm.s32 $0x108;
	_ =	swait.ge @!p0 [sflag:s8], $0x0  }
0x24: {  	s3 =	sadd.s32 $0x88, s3;
	s6 =	simm.s32 @!p1 $0x1082;
	[sflag:s4] =	ssyncset.s32 $0xFFFFF086  }
0x25: {  	[simem:s6], [sflag:s4] =	dma.local [hbm:s3], $0xF7A  }
0x26: {  	[smem:$0x3F88] =	sst s1;
	(tag) =	ssettag s2;
	_ =	strace s9  }
0x27: {  	s1 =	sld [smem:$0x3F98]  }
0x28: {  	s2 =	sld [smem:$0x3F99]  }
0x29: {  	s4 =	sld [smem:$0x3F9B]  }
0x2a: {  	p0 =	seq.s32 s5, $0x0;
	s5 =	sld [smem:$0x3F9C]  }
0x2b: {  	s6 =	sld [smem:$0x3F9D]  }
0x2c: {  	s7 =	sld [smem:$0x3F9E]  }
0x2d: {  	s3 =	simm.s32 $0x108;
	s8 =	sld [smem:$0x3F9F]  }
0x2e: {  	s3 =	simm.s32 @!p0 $0x1082;
	s9 =	sld [smem:$0x3FA0]  }
0x2f: {  	lr =	sadd.s32 s0, s3;
	s0 =	sld [smem:$0x3F97]  }
0x30: {  	s3 =	sld [smem:$0x3F9A]  }
0x31: {  	[smem:$0x3FA3] =	sst s10  }
0x32: {  	s10 =	sld [smem:$0x3FA1];
	_ =	sdelay $0x3  }
0x33: {  	p0 =	seq.s32 s10, $0x1;
	s10 =	sld [smem:$0x3FA3];
	_ =	sdelay $0x3  }
0x34: {  	[smem:$0x3FA3] =	sst s10  }
0x35: {  	s10 =	sld [smem:$0x3FA2];
	_ =	sdelay $0x3  }
0x36: {  	p1 =	seq.s32 s10, $0x1;
	s10 =	sld [smem:$0x3FA3];
	_ =	sdelay $0x3  }
0x37: {  	[smem:$0x3FA3] =	sst s10  }
0x38: {  	s10 =	sld [smem:$0x3FA4]  }
0x39: {  	_ = 	snop;
	(pc) =	sbr.ind lr, $3  }
0x3a: {  	_ = 	snop  }
0x3b: {  	_ = 	snop  }
0x3c: {  	p2 =	seq.s32 s10, $0x1;
	s10 =	sld [smem:$0x3FA3]  }
0x3d: {  	_ =	shalt  }
0x3e: {  	_ =	shalt  }
0x3f: {  	_ =	shalt  }
0x40: {  	_ =	shalt  }
0x41: {  	_ =	shalt  }
0x42: {  	_ =	shalt  }
0x43: {  	_ =	shalt  }
0x44: {  	_ =	shalt  }
0x45: {  	_ =	shalt  }
0x46: {  	_ =	shalt  }
0x47: {  	_ =	shalt  }
0x48: {  	_ =	shalt  }
0x49: {  	_ =	shalt  }
0x4a: {  	_ =	shalt  }
0x4b: {  	_ =	shalt  }
0x4c: {  	_ =	shalt  }
0x4d: {  	_ =	shalt  }
0x4e: {  	_ =	shalt  }
0x4f: {  	_ =	shalt  }
0x50: {  	_ =	shalt  }
0x51: {  	_ =	shalt  }
0x52: {  	_ =	shalt  }
0x53: {  	_ =	shalt  }
0x54: {  	_ =	shalt  }
0x55: {  	_ =	shalt  }
0x56: {  	_ =	shalt  }
0x57: {  	_ =	shalt  }
0x58: {  	_ =	shalt  }
0x59: {  	_ =	shalt  }
0x5a: {  	_ =	shalt  }
0x5b: {  	_ =	shalt  }
0x5c: {  	_ =	shalt  }
0x5d: {  	_ =	shalt  }
0x5e: {  	_ =	shalt  }
0x5f: {  	_ =	shalt  }
0x60: {  	_ =	shalt  }
0x61: {  	_ =	shalt  }
0x62: {  	_ =	shalt  }
0x63: {  	_ =	shalt  }
0x64: {  	_ =	shalt  }
0x65: {  	_ =	shalt  }
0x66: {  	_ =	shalt  }
0x67: {  	_ =	shalt  }
0x68: {  	_ =	shalt  }
0x69: {  	_ =	shalt  }
0x6a: {  	_ =	shalt  }
0x6b: {  	_ =	shalt  }
0x6c: {  	_ =	shalt  }
0x6d: {  	_ =	shalt  }
0x6e: {  	_ =	shalt  }
0x6f: {  	_ =	shalt  }
0x70: {  	_ =	shalt  }
0x71: {  	_ =	shalt  }
0x72: {  	_ =	shalt  }
0x73: {  	_ =	shalt  }
0x74: {  	_ =	shalt  }
0x75: {  	_ =	shalt  }
0x76: {  	_ =	shalt  }
0x77: {  	_ =	shalt  }
0x78: {  	_ =	shalt  }
0x79: {  	_ =	shalt  }
0x7a: {  	_ =	shalt  }
0x7b: {  	_ =	shalt  }
0x7c: {  	_ =	shalt  }
0x7d: {  	_ =	shalt  }
0x7e: {  	_ =	shalt  }
0x7f: {  	_ =	shalt  }
0x80: {  	_ =	shalt  }
0x81: {  	_ =	shalt  }
0x82: {  	_ =	shalt  }
0x83: {  	_ =	shalt  }
0x84: {  	_ =	shalt  }
0x85: {  	_ =	shalt  }
0x86: {  	_ =	shalt  }
0x87: {  	_ =	shalt  }
.Lfunc_end0:
.L_simem_size_0:
called_computation_lowered:
.L_overlay_start_0:
0x88: {  	s2 =	sld [smem:$0x3FD9]  }
0x89: {  	s3 =	sld [smem:$0x3FFE];
	_ =	sdelay $0x1  }
0x8a: {  	s1 =	srdreg.scid  }
0x8b: {  	s0 =	sand.u32 $0x1, s1  }
0x8c: {  	s17 =	sshll.u32 s0, $0xA;
	s2 =	sadd.s32 s3, s2  }
0x8d: {  	s2 =	sadd.s32 s2, s17  }
0x8e: {  	[smem:$0x3FAF] =	sst s2  }
0x8f: {  	_ = 	snop  }
0x90: {  	s2 =	sld [smem:$0x3FC6]  }
0x91: {  	s18 =	sld [smem:$0x3FC5]  }
0x92: {  	s4 =	sld [smem:$0x3FD0];
	(tm) =	ssettm $0x1  }
0x93: {  	s5 =	sld [smem:$0x3FFB];
	_ =	sdelay $0x3  }
0x94: {  	_ =	strace s5  }
0x95: {  	s5 =	sld [smem:$0x3FFC];
	_ =	sdelay $0x3  }
0x96: {  	_ =	strace s5  }
0x97: {  	s5 =	sld [smem:$0x3FFD];
	_ =	sdelay $0x3  }
0x98: {  	_ =	strace s5  }
0x99: {  	_ =	strace $0x8FFFFFFF  }
0x9a: {  	s19 =	sld [smem:$0x3FDB];
	_ =	sdelay $0x1  }
0x9b: {  	s6 =	simm.s32 $_scs_section_size  }
0x9c: {  	s7 =	simm.s32 $_size__tile_overlayer_lowered;
	s8 =	simm.s32 $_tile_overlayer_lowered  }
0x9d: {  	s22 =	simm.s32 $0x1BFF;
	s21 =	sshll.u32 s8, $0x1;
	s5 =	sadd.s32 s6, s19  }
0x9e: {  	s9 =	simm.s32 $0x0;
	s20 =	sshll.u32 s7, $0x1;
	s7 =	sadd.s32 s21, s5  }
0x9f: {  	[timem:s9], [sflag:s22] =	dma.local [hbm:s7], s20  }
0xa0: {  	_ =	swait.ge [sflag:s22], s20  }
0xa1: {  	s6 =	ssub.s32 $0x0, s20;
	[sflag:s22] =	ssyncset.done $0x0  }
0xa2: {  	[sflag:s22] =	ssyncadd.s32 s6;
	_ =	sdelay $0x1  }
0xa3: {  	s23 =	simm.s32 $0x1B8B  }
0xa4: {  	_ =	swait.ge [sflag:s23], $0x1  }
0xa5: {  	[sflag:s23] =	ssyncset.done $0x0  }
0xa6: {  	s25 =	simm.s32 $0x1B8E;
	s24 =	sld [smem:$0x3FFE];
	[sflag:s23] =	ssyncadd.s32 $0xFFFFFFFF  }
0xa7: {  	s26 =	simm.s32 $execute0_lowered;
	[smem:$0x3FD2] =	sst s25  }
0xa8: {  	s7 =	sshll.u32 s26, $0x1;
	_ =	strace $0x80000046;
	[dreg:$0x1] =	wrdreg $0xFFFFFFFF  }
0xa9: {  	s28 =	simm.s32 $_size_execute0_lowered;
	s5 =	sadd.s32 s5, s7;
	[dreg:$0x0] =	wrdreg $0x0  }
0xaa: {  	s7 =	sshll.u32 s28, $0x1;
	[dreg:$0x2] =	wrdreg s5  }
0xab: {  	[dreg:$0x3] =	wrdreg s7  }
0xac: {  	[dreg:$0x4] =	wrdreg $0xC0  }
0xad: {  	_ =	task [dreg:s9], $0x5FFFF  }
0xae: {  	[dreg:$0x1] =	wrdreg $0xFFFFFFFF  }
0xaf: {  	[dreg:$0x0] =	wrdreg $0x60  }
0xb0: {  	[dreg:$0x2] =	wrdreg s24  }
0xb1: {  	[dreg:$0x3] =	wrdreg s18  }
0xb2: {  	[dreg:$0x4] =	wrdreg s2  }
0xb3: {  	[dreg:$0x5] =	wrdreg s4  }
0xb4: {  	[dreg:$0x6] =	wrdreg $0x0  }
0xb5: {  	[dreg:$0x7] =	wrdreg $0x9  }
0xb6: {  	_ =	task.clear_ibuf [dreg:s9], $0x8FFFF;
	_ =	strace $0x90000046  }
0xb7: {  	s29 =	simm.s32 $0x9;
	_ =	strace $0x80000048  }
0xb8: {  	_ =	swait.ge [sflag:s29], $0x1  }
0xb9: {  	[sflag:s29] =	ssyncadd.s32 $0xFFFFFFFF  }
0xba: {  	_ =	strace $0x90000048  }
0xbb: {  	_ =	sfence  }
0xbc: {  	s30 =	sld [smem:$0x0];
	_ =	sdelay $0x2  }
0xbd: {  	s31 =	sshll.u32 s1, $0xD;
	s1 =	sshrl.u32 s1, $0x2  }
0xbe: {  	s3 =	sand.u32 $0x4000, s31;
	s1 =	sadd.s32 s1, s30  }
0xbf: {  	s0 =	sor.u32 s3, s0;
	s1 =	sshll.u32 s1, $0x11  }
0xc0: {  	s0 =	sor.u32 s1, s0  }
0xc1: {  	s0 =	sadd.s32 $0x8F2B, s0  }
0xc2: {  	[sflag:s0] =	ssyncadd.remote.s32 $0x1  }
0xc3: {  	_ =	sfence.sel $0xFFFF  }
0xc4: {  	[dreg:$0x0] =	wrdreg $0xFFFFFFFF;
	(pc) =	sbr.abs _section_cstart, $3  }
0xc5: {  	[dreg:$0x1] =	wrdreg $0xFFFFFFFF  }
0xc6: {  	_ =	task.clear_ibuf [dreg:s9], $0x2FFFF;
	_ =	strace $0x9FFFFFFF  }
0xc7: {  	(tm) =	ssettm $0x7FFFFFFF  }
tec
execute0_lowered:
.L_overlay_start_1:
0x0: {  	(tag) =	ssettag $0x1  }
0x1: {  	s5 =	rddreg [dreg:$0x0]  }
0x2: {  	s10 =	rddreg [dreg:$0x1]  }
0x3: {  	s9 =	rddreg [dreg:$0x2]  }
0x4: {  	s1 =	rddreg [dreg:$0x3]  }
0x5: {  	s2 =	rddreg [dreg:$0x4]  }
0x6: {  	s0 =	rddreg [dreg:$0x5];
	s3 =	simm.s32 $0x0  }
0x7: {  	s4 =	srdreg.scid;
	s11 =	stileid.u32;
	s17 =	simm.s32 $0xB068  }
0x8: {  	s18 =	simm.s32 $0x1;
	s19 =	simm.s32 $0x0;
	[smem:$0x7FF] =	sst s3  }
0x9: {  	s6 =	sand.u32 $0x1, s4;
	s4 =	sadd.s32 $0x18CE00, s5;
	s12 =	smul.u32 $0xAF80, s11  }
0xa: {  	s13 =	sadd.s32 $0xC9800, s5;
	s29 =	sshll.u32 s11, $0x6;
	s31 =	smul.u32 $0x2710, s11  }
0xb: {  	s16 =	sadd.s32 $0xAF800, s2;
	p0 =	sne.s32 s11, $0x0;
	s28 =	smul.u32 $0xAFC80, s6  }
0xc: {  	_ =	strace $0x80000047;
	s7 =	ssub.s32 $0x2, s6;
	s15 =	smul.u32 $0x27100, s6  }
0xd: {  	s5 =	sor.u32 $0x1C02, s29;
	s8 =	sshrl.u32 s7, $0x1;
	s14 =	sadd.s32 s12, s2  }
0xe: {  	s8 =	ssub.s32 s7, s8;
	s30 =	sadd.s32 s12, s28;
	s7 =	sshrl.u32 s28, $0x3  }
0xf: {  	s12 =	sadd.s32 s31, s15;
	s11 =	sshrl.u32 s14, $0x3;
	s14 =	simm.s32 $0xAFC8  }
0x10: {  	s15 =	simm.s32 $0xB018;
	s6 =	sshrl.u32 s30, $0x3;
	s7 =	sadd.s32 s13, s7  }
0x11: {  	s8 =	smax.u32 s8, $0x1;
	s12 =	sshrl.u32 s12, $0x3;
	s6 =	sadd.s32 s13, s6  }
0x12: {  	s7 =	sadd.s32 $0x15F00, s7;
	s9 =	sadd.s32 s12, s9;
	s10 =	sadd.s32 s12, s10  }
0x13: {  	s12 =	simm.s32 $0x2;
	s13 =	sshrl.u32 @!p0 s16, $0x3;
	s16 =	simm.s32 $0x50  }
.LBB2_1:
0x14: {  	[spmem:s11], [sflag:s5] =	dma.local [hbm:s1], $0x15F0  }
0x15: {  	_ =	swait.ge [sflag:s12], $0x15F0  }
0x16: {  	[sflag:s12] =	ssyncset.done $0x0  }
0x17: {  	s20 =	simm.s32 @!p0 $0x2;
	[sflag:s12] =	ssyncadd.s32 $0xFFFFEA10  }
0x18: {  	[spmem:s13], [sflag:s5] =	dma.local @!p0 [hbm:s1], $0x90  }
0x19: {  	_ =	swait.ge @!p0 [sflag:s20], $0x90  }
0x1a: {  	[sflag:s20] =	ssyncset.done @!p0 $0x0  }
0x1b: {  	[sflag:s20] =	ssyncadd.s32 @!p0 $0xFFFFFF70  }
0x1c: {  	s30 =	sadd.s32 $0x0, s10;
	[bflag:$0x0] =	sbarrier.arrive $0xFFFF  }
0x1d: {  	[tilespmem:s14], [sflag:$0x2] =	stream.linear.gather [hbm4b:s30+s3], $0x50, $0x38;
	[tilespmem:$0xC6E8] =	vst v63  }
0x1e: {  	_ =	swait.ge [sflag:s12], $0x50  }
0x1f: {  	[sflag:s12] =	ssyncset.done $0x0  }
0x20: {  	s31 =	sadd.s32 $0x0, s9;
	[sflag:s12] =	ssyncadd.s32 $0xFFFFFFB0  }
0x21: {  	[tilespmem:s15], [sflag:$0x2] =	stream.linear.gather [hbm4b:s31+s3], $0x50, $0x38;
	[tilespmem:$0xC6E8] =	vst v63  }
0x22: {  	_ =	swait.ge [sflag:s12], $0x50  }
0x23: {  	[sflag:s12] =	ssyncset.done $0x0  }
0x24: {  	[sflag:s12] =	ssyncadd.s32 $0xFFFFFFB0  }
0x25: {  	[tilespmem:s17], [sflag:$0x1] =	stream.indirect.gather [hbm4b:s4+s16], $0x48, s14, s16, $0xb8;
	[tilespmem:$0xC6E8] =	vst v63  }
0x26: {  	_ =	swait.ge [sflag:s18], $0x1680  }
0x27: {  	[sflag:s18] =	ssyncset.done $0x0  }
0x28: {  	[sflag:s18] =	ssyncadd.s32 $0xFFFFE980  }
0x29: {  	[spmem:s2] =	stream.indirect.scatter.add.f32 [tilespmem:s17], [sflag:$0x2], $0x48, s15, s16, $0xb8;
	[tilespmem:$0xC6E8] =	vst v63  }
0x2a: {  	_ =	swait.ge [sflag:s12], $0x1680  }
0x2b: {  	s21 =	simm.s32 $0x14;
	s20 =	simm.s32 $0xA;
	[sflag:s12] =	ssyncset.done $0x0  }
.LBB2_2:
0x2c: {  	s22 =	sadd.s32 s20, s10  }
0x2d: {  	[sflag:s12] =	ssyncadd.s32 $0xFFFFE980;
	s23 =	smov.u32 s21;
	s24 =	sadd.s32 $0xA, s21  }
0x2e: {  	[tilespmem:s14], [sflag:$0x2] =	stream.linear.gather [hbm4b:s22+s3], $0x50, $0x38;
	[tilespmem:$0xC6E8] =	vst v63  }
0x2f: {  	p1 =	sne.s32 s21, $0x4D8;
	_ =	swait.ge [sflag:s12], $0x50  }
0x30: {  	[sflag:s12] =	ssyncset.done $0x0  }
0x31: {  	s21 =	sadd.s32 s20, s9;
	s20 =	smov.u32 s23;
	[sflag:s12] =	ssyncadd.s32 $0xFFFFFFB0  }
0x32: {  	[tilespmem:s15], [sflag:$0x2] =	stream.linear.gather [hbm4b:s21+s3], $0x50, $0x38;
	[tilespmem:$0xC6E8] =	vst v63  }
0x33: {  	_ =	swait.ge [sflag:s12], $0x50  }
0x34: {  	[sflag:s12] =	ssyncset.done $0x0  }
0x35: {  	[sflag:s12] =	ssyncadd.s32 $0xFFFFFFB0  }
0x36: {  	[tilespmem:s17], [sflag:$0x1] =	stream.indirect.gather [hbm4b:s4+s16], $0x48, s14, s16, $0xb8;
	[tilespmem:$0xC6E8] =	vst v63  }
0x37: {  	_ =	swait.ge [sflag:s18], $0x1680  }
.Ltmp0:
0x38: {  	[sflag:s18] =	ssyncset.done $0x0;
	(pc) =	sbr.rel @p1 .LBB2_2-.Ltmp0, $4  }
0x39: {  	[sflag:s18] =	ssyncadd.s32 $0xFFFFE980  }
0x3a: {  	[spmem:s2] =	stream.indirect.scatter.add.f32 [tilespmem:s17], [sflag:$0x2], $0x48, s15, s16, $0xb8;
	[tilespmem:$0xC6E8] =	vst v63  }
0x3b: {  	_ =	swait.ge [sflag:s12], $0x1680  }
0x3c: {  	s21 =	smov.u32 s24;
	[sflag:s12] =	ssyncset.done $0x0  }
0x3d: {  	s21 =	sadd.s32 s20, s10;
	[sflag:s12] =	ssyncadd.s32 $0xFFFFE980  }
0x3e: {  	[tilespmem:s14], [sflag:$0x2] =	stream.linear.gather [hbm4b:s21+s3], $0x50, $0x38;
	[tilespmem:$0xC6E8] =	vst v63  }
0x3f: {  	_ =	swait.ge [sflag:s12], $0x50  }
0x40: {  	[sflag:s12] =	ssyncset.done $0x0  }
0x41: {  	s31 =	sadd.s32 s20, s9;
	[sflag:s12] =	ssyncadd.s32 $0xFFFFFFB0  }
0x42: {  	[tilespmem:s15], [sflag:$0x2] =	stream.linear.gather [hbm4b:s31+s3], $0x50, $0x38;
	[tilespmem:$0xC6E8] =	vst v63  }
0x43: {  	_ =	swait.ge [sflag:s12], $0x50  }
0x44: {  	[sflag:s12] =	ssyncset.done $0x0  }
0x45: {  	[sflag:s12] =	ssyncadd.s32 $0xFFFFFFB0  }
0x46: {  	[tilespmem:s17], [sflag:$0x1] =	stream.indirect.gather [hbm4b:s4+s16], $0x48, s14, s16, $0xb8;
	[tilespmem:$0xC6E8] =	vst v63  }
0x47: {  	_ =	swait.ge [sflag:s18], $0x1680  }
0x48: {  	[sflag:s18] =	ssyncset.done $0x0  }
0x49: {  	[sflag:s18] =	ssyncadd.s32 $0xFFFFE980  }
0x4a: {  	[spmem:s2] =	stream.indirect.scatter.add.f32 [tilespmem:s17], [sflag:$0x2], $0x48, s15, s16, $0xb8;
	[tilespmem:$0xC6E8] =	vst v63  }
0x4b: {  	_ =	swait.ge [sflag:s12], $0x1680  }
0x4c: {  	[sflag:s12] =	ssyncset.done $0x0  }
0x4d: {  	[sflag:s12] =	ssyncadd.s32 $0xFFFFE980  }
0x4e: {  	[bflag:$0x0] =	sbarrier.arrive $0xFFFF  }
0x4f: {  	[hbm:s6], [sflag:s5] =	dma.local [spmem:s11], $0x15F0  }
0x50: {  	s19 =	sadd.s32 $0x1, s19;
	_ =	swait.ge [sflag:s12], $0x15F0  }
0x51: {  	p1 =	sne.s32 s19, s8;
	[sflag:s12] =	ssyncset.done $0x0  }
.Ltmp1:
0x52: {  	s20 =	simm.s32 @!p0 $0x2;
	[sflag:s12] =	ssyncadd.s32 $0xFFFFEA10;
	(pc) =	sbr.rel @p1 .LBB2_1-.Ltmp1, $4  }
0x53: {  	[hbm:s7], [sflag:s5] =	dma.local @!p0 [spmem:s13], $0x90  }
0x54: {  	_ =	swait.ge @!p0 [sflag:s20], $0x90  }
0x55: {  	[sflag:s20] =	ssyncset.done @!p0 $0x0  }
0x56: {  	[sflag:s20] =	ssyncadd.s32 @!p0 $0xFFFFFF70  }
0x57: {  	_ =	sfence.sel $0x180000  }
0x58: {  	[bflag:$0x0] =	sbarrier.arrive $0xFFFF  }
0x59: {  	_ =	strace $0x90000047  }
0x5a: {  	s0 =	sadd.s32 @!p0 $0x100000, s0;
	[bflag:$0x2] =	sbarrier.arrive $0xFFFF  }
0x5b: {  	[sflag:s0] =	ssyncadd.tile.s32 @!p0 $0x1;
	_ =	shalt  }
.Lfunc_end2:
_tile_overlayer_lowered:
.L_overlay_start_2:
0x5c: {  	(tag) =	ssettag $0x2  }
0x5d: {  	s0 =	rddreg [dreg:$0x0];
	s2 =	stileid.u32  }
0x5e: {  	s1 =	rddreg [dreg:$0x1];
	p0 =	sne.s32 s2, $0x0  }
0x5f: {  	s3 =	rddreg [dreg:$0x2];
	[bflag:$0x3] =	sbarrier.arrive $0xFFFF;
	s2 =	simm.s32 @!p0 $0x1C02  }
0x60: {  	[timem:s3], [sflag:s2] =	dma.local @!p0 [hbm:s0], s1  }
0x61: {  	s0 =	simm.s32 @!p0 $0x2  }
0x62: {  	_ =	swait.ge @!p0 [sflag:s0], s1  }
0x63: {  	s1 =	ssub.s32 @!p0 $0x0, s1;
	[sflag:s0] =	ssyncset.done @!p0 $0x0  }
0x64: {  	[sflag:s0] =	ssyncadd.s32 @!p0 s1  }
0x65: {  	[bflag:$0x3] =	sbarrier.arrive $0xFFFF  }
0x66: {  	_ =	shalt  }

</sc_bundles>
